<compile_context>
chip_gen: v7x
topology: tpu7x:2x2x1
jax: 0.10.2.dev20260603
libtpu: 0.0.44.dev20260713+nightly
codegen_flags: <defaults>
</compile_context>

<pallas_src>
import functools

import jax
import jax.numpy as jnp
from jax import lax
from jax.experimental import pallas as pl
from jax.experimental.pallas import tpu as pltpu
from jax.experimental.pallas import tpu_sc as plsc

NEMB = 128
NC = 2
NS = 16
NW = NC * NS
GCHUNK = 128
NBUF = 3


def _make_gather3(chunk, start_row):
    b_per_w = chunk // NW
    n_chunks = max(1, b_per_w // GCHUNK)
    gchunk = b_per_w // n_chunks
    mesh = plsc.VectorSubcoreMesh(core_axis_name="c", subcore_axis_name="s")
    out_row = jax.ShapeDtypeStruct((chunk, NEMB), jnp.float32)
    row0 = start_row // gchunk

    @functools.partial(
        pl.kernel,
        out_type=(out_row, out_row, out_row),
        mesh=mesh,
        scratch_types=[
            pltpu.VMEM((n_chunks, gchunk), jnp.int32),
            pltpu.VMEM((n_chunks, gchunk), jnp.int32),
            pltpu.VMEM((n_chunks, gchunk), jnp.int32),
            pltpu.VMEM((gchunk, NEMB), jnp.float32),
            pltpu.VMEM((gchunk, NEMB), jnp.float32),
            pltpu.VMEM((gchunk, NEMB), jnp.float32),
            pltpu.SemaphoreType.DMA,
            pltpu.SemaphoreType.DMA,
            pltpu.SemaphoreType.DMA,
            pltpu.SemaphoreType.DMA,
            pltpu.SemaphoreType.DMA,
            pltpu.SemaphoreType.DMA,
        ],
    )
    def gather3(ev_hbm, en_hbm, xid_hbm, pid_hbm, nid_hbm,
                out_x, out_p, out_n,
                idx_a, idx_b, idx_c, rows_a, rows_b, rows_c,
                gsem_a, gsem_b, gsem_c, ssem_a, ssem_b, ssem_c):
        wid = lax.axis_index("s") * NC + lax.axis_index("c")
        base = wid * b_per_w
        idxb = (idx_a, idx_b, idx_c)
        rows = (rows_a, rows_b, rows_c)
        gsems = (gsem_a, gsem_b, gsem_c)
        ssems = (ssem_a, ssem_b, ssem_c)

        jobs = ((ev_hbm, xid_hbm, out_x),
                (en_hbm, pid_hbm, out_p),
                (en_hbm, nid_hbm, out_n))
        seq = [(j, c) for j in range(3) for c in range(n_chunks)]
        nseq = len(seq)

        for j in range(3):
            pltpu.sync_copy(
                jobs[j][1].at[pl.ds(row0 + wid * n_chunks, n_chunks)],
                idxb[j])

        def start_gather(g):
            j, c = seq[g]
            cp = pltpu.make_async_copy(
                jobs[j][0].at[idxb[j].at[c]], rows[g % NBUF],
                gsems[g % NBUF])
            cp.start()
            return cp

        def start_store(g):
            j, c = seq[g]
            cp = pltpu.make_async_copy(
                rows[g % NBUF],
                jobs[j][2].at[pl.ds(base + c * gchunk, gchunk)],
                ssems[g % NBUF])
            cp.start()
            return cp

        gh = [None] * nseq
        sh = [None] * nseq
        for g in range(min(NBUF, nseq)):
            gh[g] = start_gather(g)
        for g in range(nseq):
            gh[g].wait()
            sh[g] = start_store(g)
            nxt = g + NBUF
            if nxt < nseq:
                sh[nxt - NBUF].wait()
                gh[nxt] = start_gather(nxt)
        for g in range(max(0, nseq - NBUF), nseq):
            if sh[g] is not None:
                sh[g].wait()

    return gather3


def _make_bilinear_loss(batch):
    tb = min(2048, batch)
    grid = (batch // tb,)

    def body(x_ref, p_ref, n_ref, w_ref, b_ref, out_ref):
        i = pl.program_id(0)
        u = jnp.dot(x_ref[...], w_ref[...],
                    preferred_element_type=jnp.float32)
        bias = b_ref[0]
        rr = lax.broadcasted_iota(jnp.int32, (NEMB, NEMB), 0)
        cc = lax.broadcasted_iota(jnp.int32, (NEMB, NEMB), 1)
        eye = (rr == cc).astype(jnp.float32)
        d1s, d2s = [], []
        for c in range(tb // NEMB):
            uc = lax.slice(u, (c * NEMB, 0), ((c + 1) * NEMB, NEMB))
            pc = p_ref[pl.ds(c * NEMB, NEMB), :]
            nc = n_ref[pl.ds(c * NEMB, NEMB), :]
            m1 = lax.dot_general(uc, pc, (((1,), (1,)), ((), ())),
                                 preferred_element_type=jnp.float32)
            m2 = lax.dot_general(uc, nc, (((1,), (1,)), ((), ())),
                                 preferred_element_type=jnp.float32)
            d1s.append(jnp.sum(m1 * eye, axis=0, keepdims=True))
            d2s.append(jnp.sum(m2 * eye, axis=0, keepdims=True))
        d1 = jnp.concatenate(d1s, axis=0) + bias
        d2 = jnp.concatenate(d2s, axis=0) + bias
        l1 = jnp.maximum(d1, 0.0) - d1 + jnp.log(1.0 + jnp.exp(-jnp.abs(d1)))
        l2 = jnp.maximum(d2, 0.0) + jnp.log(1.0 + jnp.exp(-jnp.abs(d2)))
        part = jnp.sum(l1 + l2)

        @pl.when(i == 0)
        def _():
            out_ref[0] = 0.0

        out_ref[0] += part

    return pl.pallas_call(
        body,
        grid=grid,
        in_specs=[
            pl.BlockSpec((tb, NEMB), lambda i: (i, 0)),
            pl.BlockSpec((tb, NEMB), lambda i: (i, 0)),
            pl.BlockSpec((tb, NEMB), lambda i: (i, 0)),
            pl.BlockSpec((NEMB, NEMB), lambda i: (0, 0)),
            pl.BlockSpec(memory_space=pltpu.SMEM),
        ],
        out_specs=pl.BlockSpec(memory_space=pltpu.SMEM),
        out_shape=jax.ShapeDtypeStruct((1,), jnp.float32),
    )


def kernel(emb_event, emb_entity, W, b, x_id, pos_id, neg_id):
    batch = x_id.shape[0]
    if batch % (2 * NW * GCHUNK) == 0:
        chunks = [batch // 2, batch // 2]
    else:
        chunks = [batch]
    xi = x_id.astype(jnp.int32).reshape(batch // GCHUNK, GCHUNK)
    pi = pos_id.astype(jnp.int32).reshape(batch // GCHUNK, GCHUNK)
    ni = neg_id.astype(jnp.int32).reshape(batch // GCHUNK, GCHUNK)
    w0 = W[0]
    total = None
    start = 0
    for chunk in chunks:
        x_g, p_g, n_g = _make_gather3(chunk, start)(
            emb_event, emb_entity, xi, pi, ni)
        part = _make_bilinear_loss(chunk)(x_g, p_g, n_g, w0, b)[0]
        total = part if total is None else total + part
        start += chunk
    return total * (0.5 / batch)

# --- scband reference (transcript-rebuilt; emitter-appended) ---
"""Pipeline reference for scband-arc-trainer-22247930594021 (READ-ONLY COPY).

The authoritative reference and input builder live on the scoring server;
editing this copy changes nothing except your own understanding.
"""

import jax, jax.numpy as jnp
import numpy as np

NEMB = 128
B = 16384
N_EVENT = 100000
N_ENTITY = 1000000


def setup_inputs(seed: int = 0) -> dict:
    key = jax.random.key(seed)
    k1, k2, k3, k4, k5, k6, k7 = jax.random.split(key, 7)
    emb_event = jax.random.normal(k1, (N_EVENT, NEMB), dtype=jnp.float32)
    emb_entity = jax.random.normal(k2, (N_ENTITY, NEMB), dtype=jnp.float32)
    x_id = jax.random.randint(k3, (B,), 0, N_EVENT, dtype=jnp.int64) if jax.config.jax_enable_x64 else jax.random.randint(k3, (B,), 0, N_EVENT, dtype=jnp.int32)
    pos_id = jax.random.randint(k4, (B,), 0, N_ENTITY, dtype=jnp.int32)
    neg_id = jax.random.randint(k5, (B,), 0, N_ENTITY, dtype=jnp.int32)
    # learned parameters of nn.Bilinear(nemb, nemb, 1): W[out=1, in1, in2], b[1]
    bound = 1.0 / np.sqrt(NEMB)
    W = jax.random.uniform(k6, (1, NEMB, NEMB), minval=-bound, maxval=bound, dtype=jnp.float32)
    b = jax.random.uniform(k7, (1,), minval=-bound, maxval=bound, dtype=jnp.float32)
    return {"emb_event": emb_event, "emb_entity": emb_entity, "W": W, "b": b,
            "x_id": x_id, "pos_id": pos_id, "neg_id": neg_id}


def _bce_with_logits(logits, labels):
    # mean( max(z,0) - z*y + log(1 + exp(-|z|)) )
    return jnp.mean(jnp.maximum(logits, 0.0) - logits * labels + jnp.log1p(jnp.exp(-jnp.abs(logits))))


def reference(emb_event, emb_entity, W, b, x_id, pos_id, neg_id):
    # embedding lookups (gather) - Event2Entity edge type path
    x = jnp.take(emb_event, x_id, axis=0)      # [B, nemb]
    pos = jnp.take(emb_entity, pos_id, axis=0)  # [B, nemb]
    neg = jnp.take(emb_entity, neg_id, axis=0)  # [B, nemb]
    # nn.Bilinear: out[b,o] = sum_ij x[b,i] * W[o,i,j] * y[b,j] + bias[o]
    d1 = jnp.einsum('bi,oij,bj->bo', x, W, pos) + b  # [B,1]
    d2 = jnp.einsum('bi,oij,bj->bo', x, W, neg) + b  # [B,1]
    y = jnp.concatenate([d1[:, 0], d2[:, 0]], axis=0)  # [2B]
    label = jnp.concatenate([jnp.ones(x.shape[0], jnp.float32), jnp.zeros(x.shape[0], jnp.float32)], axis=0)
    loss = _bce_with_logits(y, label)
    return loss

if __name__ == "__main__":
    import jax
    _d = setup_inputs()
    print(jax.jit(kernel)(*tuple(_d.values())))

</pallas_src>

<mosaic_0001>
#map = affine_map<(d0, d1) -> (0, 0)>
module attributes {stable_mosaic.version = 14 : i64} {
  func.func @gather3(%arg0: i32, %arg1: i32, %arg2: memref<100000x128xf32, #tpu.memory_space<hbm>>, %arg3: memref<1000000x128xf32, #tpu.memory_space<hbm>>, %arg4: memref<128x128xi32, #tpu.memory_space<hbm>>, %arg5: memref<128x128xi32, #tpu.memory_space<hbm>>, %arg6: memref<128x128xi32, #tpu.memory_space<hbm>>, %arg7: memref<8192x128xf32, #tpu.memory_space<hbm>>, %arg8: memref<8192x128xf32, #tpu.memory_space<hbm>>, %arg9: memref<8192x128xf32, #tpu.memory_space<hbm>>, %arg10: memref<2x128xi32, #tpu.memory_space<vmem>>, %arg11: memref<2x128xi32, #tpu.memory_space<vmem>>, %arg12: memref<2x128xi32, #tpu.memory_space<vmem>>, %arg13: memref<128x128xf32, #tpu.memory_space<vmem>>, %arg14: memref<128x128xf32, #tpu.memory_space<vmem>>, %arg15: memref<128x128xf32, #tpu.memory_space<vmem>>, %arg16: memref<!tpu.dma_semaphore, #tpu.memory_space<semaphore_mem>>, %arg17: memref<!tpu.dma_semaphore, #tpu.memory_space<semaphore_mem>>, %arg18: memref<!tpu.dma_semaphore, #tpu.memory_space<semaphore_mem>>, %arg19: memref<!tpu.dma_semaphore, #tpu.memory_space<semaphore_mem>>, %arg20: memref<!tpu.dma_semaphore, #tpu.memory_space<semaphore_mem>>, %arg21: memref<!tpu.dma_semaphore, #tpu.memory_space<semaphore_mem>>) attributes {dimension_semantics = [#tpu.dimension_semantics<core_parallel>, #tpu.dimension_semantics<subcore_parallel>], iteration_bounds = array<i64: 2, 16>, scalar_prefetch = 0 : i64, scratch_operands = 12 : i64, tpu.core_type = #tpu.core_type<sc_vector_subcore>, window_params = [{transform_indices = #map}, {transform_indices = #map}, {transform_indices = #map}, {transform_indices = #map}, {transform_indices = #map}, {transform_indices = #map}, {transform_indices = #map}, {transform_indices = #map}]} {
    %mul3A = arith.constant 2 : i32
    %mul3A_0 = arith.muli %arg1, %mul3A : i32
    %add3A = arith.addi %mul3A_0, %arg0 : i32
    %mul3A_1 = arith.constant 256 : i32
    %mul3A_2 = arith.muli %add3A, %mul3A_1 : i32
    %mul3A_3 = arith.constant 2 : i32
    %mul3A_4 = arith.muli %add3A, %mul3A_3 : i32
    %add3A_5 = arith.constant 64 : i32
    %add3A_6 = arith.addi %add3A_5, %mul3A_4 : i32
    "tpu.region"() ({
      %run_scoped3A = tpu.sem_alloc : memref<!tpu.dma_semaphore, #tpu.memory_space<semaphore_mem>>
      %dma_start3A_157 = arith.constant 0 : i32
      %dma_start3A_158 = tpu.memref_slice %arg4[%add3A_6, %dma_start3A_157] : memref<128x128xi32, #tpu.memory_space<hbm>> -> memref<2x128xi32, #tpu.memory_space<hbm>>
      %dma_start3A_159 = arith.constant 0 : i32
      %dma_start3A_160 = tpu.memref_slice %arg4[%add3A_6, %dma_start3A_159] : memref<128x128xi32, #tpu.memory_space<hbm>> -> memref<2x128xi32, #tpu.memory_space<hbm>>
      tpu.enqueue_dma source(%dma_start3A_160 : memref<2x128xi32, #tpu.memory_space<hbm>>) target(%arg10 : memref<2x128xi32, #tpu.memory_space<vmem>>) target_semaphore(%run_scoped3A : memref<!tpu.dma_semaphore, #tpu.memory_space<semaphore_mem>>)
      %dma_wait3A_161 = arith.constant 0 : i32
      %dma_wait3A_162 = tpu.memref_slice %arg4[%add3A_6, %dma_wait3A_161] : memref<128x128xi32, #tpu.memory_space<hbm>> -> memref<2x128xi32, #tpu.memory_space<hbm>>
      %dma_wait3A_163 = arith.constant 0 : i32
      %dma_wait3A_164 = tpu.memref_slice %arg4[%add3A_6, %dma_wait3A_163] : memref<128x128xi32, #tpu.memory_space<hbm>> -> memref<2x128xi32, #tpu.memory_space<hbm>>
      tpu.wait_dma2 semaphore(%run_scoped3A : memref<!tpu.dma_semaphore, #tpu.memory_space<semaphore_mem>>) src(%dma_wait3A_164 : memref<2x128xi32, #tpu.memory_space<hbm>>) dst(%arg10 : memref<2x128xi32, #tpu.memory_space<vmem>>)
      tpu.yield
    }) : () -> ()
    %mul3A_7 = arith.constant 2 : i32
    %mul3A_8 = arith.muli %add3A, %mul3A_7 : i32
    %add3A_9 = arith.constant 64 : i32
    %add3A_10 = arith.addi %add3A_9, %mul3A_8 : i32
    "tpu.region"() ({
      %run_scoped3A = tpu.sem_alloc : memref<!tpu.dma_semaphore, #tpu.memory_space<semaphore_mem>>
      %dma_start3A_157 = arith.constant 0 : i32
      %dma_start3A_158 = tpu.memref_slice %arg5[%add3A_10, %dma_start3A_157] : memref<128x128xi32, #tpu.memory_space<hbm>> -> memref<2x128xi32, #tpu.memory_space<hbm>>
      %dma_start3A_159 = arith.constant 0 : i32
      %dma_start3A_160 = tpu.memref_slice %arg5[%add3A_10, %dma_start3A_159] : memref<128x128xi32, #tpu.memory_space<hbm>> -> memref<2x128xi32, #tpu.memory_space<hbm>>
      tpu.enqueue_dma source(%dma_start3A_160 : memref<2x128xi32, #tpu.memory_space<hbm>>) target(%arg11 : memref<2x128xi32, #tpu.memory_space<vmem>>) target_semaphore(%run_scoped3A : memref<!tpu.dma_semaphore, #tpu.memory_space<semaphore_mem>>)
      %dma_wait3A_161 = arith.constant 0 : i32
      %dma_wait3A_162 = tpu.memref_slice %arg5[%add3A_10, %dma_wait3A_161] : memref<128x128xi32, #tpu.memory_space<hbm>> -> memref<2x128xi32, #tpu.memory_space<hbm>>
      %dma_wait3A_163 = arith.constant 0 : i32
      %dma_wait3A_164 = tpu.memref_slice %arg5[%add3A_10, %dma_wait3A_163] : memref<128x128xi32, #tpu.memory_space<hbm>> -> memref<2x128xi32, #tpu.memory_space<hbm>>
      tpu.wait_dma2 semaphore(%run_scoped3A : memref<!tpu.dma_semaphore, #tpu.memory_space<semaphore_mem>>) src(%dma_wait3A_164 : memref<2x128xi32, #tpu.memory_space<hbm>>) dst(%arg11 : memref<2x128xi32, #tpu.memory_space<vmem>>)
      tpu.yield
    }) : () -> ()
    %mul3A_11 = arith.constant 2 : i32
    %mul3A_12 = arith.muli %add3A, %mul3A_11 : i32
    %add3A_13 = arith.constant 64 : i32
    %add3A_14 = arith.addi %add3A_13, %mul3A_12 : i32
    "tpu.region"() ({
      %run_scoped3A = tpu.sem_alloc : memref<!tpu.dma_semaphore, #tpu.memory_space<semaphore_mem>>
      %dma_start3A_157 = arith.constant 0 : i32
      %dma_start3A_158 = tpu.memref_slice %arg6[%add3A_14, %dma_start3A_157] : memref<128x128xi32, #tpu.memory_space<hbm>> -> memref<2x128xi32, #tpu.memory_space<hbm>>
      %dma_start3A_159 = arith.constant 0 : i32
      %dma_start3A_160 = tpu.memref_slice %arg6[%add3A_14, %dma_start3A_159] : memref<128x128xi32, #tpu.memory_space<hbm>> -> memref<2x128xi32, #tpu.memory_space<hbm>>
      tpu.enqueue_dma source(%dma_start3A_160 : memref<2x128xi32, #tpu.memory_space<hbm>>) target(%arg12 : memref<2x128xi32, #tpu.memory_space<vmem>>) target_semaphore(%run_scoped3A : memref<!tpu.dma_semaphore, #tpu.memory_space<semaphore_mem>>)
      %dma_wait3A_161 = arith.constant 0 : i32
      %dma_wait3A_162 = tpu.memref_slice %arg6[%add3A_14, %dma_wait3A_161] : memref<128x128xi32, #tpu.memory_space<hbm>> -> memref<2x128xi32, #tpu.memory_space<hbm>>
      %dma_wait3A_163 = arith.constant 0 : i32
      %dma_wait3A_164 = tpu.memref_slice %arg6[%add3A_14, %dma_wait3A_163] : memref<128x128xi32, #tpu.memory_space<hbm>> -> memref<2x128xi32, #tpu.memory_space<hbm>>
      tpu.wait_dma2 semaphore(%run_scoped3A : memref<!tpu.dma_semaphore, #tpu.memory_space<semaphore_mem>>) src(%dma_wait3A_164 : memref<2x128xi32, #tpu.memory_space<hbm>>) dst(%arg12 : memref<2x128xi32, #tpu.memory_space<vmem>>)
      tpu.yield
    }) : () -> ()
    %dma_start3A = arith.constant 0 : i32
    %dma_start3A_15 = arith.constant 0 : i32
    %dma_start3A_16 = tpu.memref_slice %arg10[%dma_start3A, %dma_start3A_15] : memref<2x128xi32, #tpu.memory_space<vmem>> -> memref<1x128xi32, #tpu.memory_space<vmem>>
    %dma_start3A_17 = tpu.memref_squeeze %dma_start3A_16 : memref<1x128xi32, #tpu.memory_space<vmem>> -> memref<128xi32, #tpu.memory_space<vmem>>
    %dma_start3A_18 = arith.constant 0 : i32
    %dma_start3A_19 = arith.constant 0 : i32
    %dma_start3A_20 = tpu.memref_slice %arg2[%dma_start3A_18, %dma_start3A_19] : memref<100000x128xf32, #tpu.memory_space<hbm>> -> memref<100000x128xf32, #tpu.memory_space<hbm>>
    tpu.enqueue_indirect_dma source(%dma_start3A_20 : memref<100000x128xf32, #tpu.memory_space<hbm>>) target(%arg13 : memref<128x128xf32, #tpu.memory_space<vmem>>) offsets(%dma_start3A_17 : memref<128xi32, #tpu.memory_space<vmem>>) semaphore(%arg16 : memref<!tpu.dma_semaphore, #tpu.memory_space<semaphore_mem>>)
    %dma_start3A_21 = arith.constant 1 : i32
    %dma_start3A_22 = arith.constant 0 : i32
    %dma_start3A_23 = tpu.memref_slice %arg10[%dma_start3A_21, %dma_start3A_22] : memref<2x128xi32, #tpu.memory_space<vmem>> -> memref<1x128xi32, #tpu.memory_space<vmem>>
    %dma_start3A_24 = tpu.memref_squeeze %dma_start3A_23 : memref<1x128xi32, #tpu.memory_space<vmem>> -> memref<128xi32, #tpu.memory_space<vmem>>
    %dma_start3A_25 = arith.constant 0 : i32
    %dma_start3A_26 = arith.constant 0 : i32
    %dma_start3A_27 = tpu.memref_slice %arg2[%dma_start3A_25, %dma_start3A_26] : memref<100000x128xf32, #tpu.memory_space<hbm>> -> memref<100000x128xf32, #tpu.memory_space<hbm>>
    tpu.enqueue_indirect_dma source(%dma_start3A_27 : memref<100000x128xf32, #tpu.memory_space<hbm>>) target(%arg14 : memref<128x128xf32, #tpu.memory_space<vmem>>) offsets(%dma_start3A_24 : memref<128xi32, #tpu.memory_space<vmem>>) semaphore(%arg17 : memref<!tpu.dma_semaphore, #tpu.memory_space<semaphore_mem>>)
    %dma_start3A_28 = arith.constant 0 : i32
    %dma_start3A_29 = arith.constant 0 : i32
    %dma_start3A_30 = tpu.memref_slice %arg11[%dma_start3A_28, %dma_start3A_29] : memref<2x128xi32, #tpu.memory_space<vmem>> -> memref<1x128xi32, #tpu.memory_space<vmem>>
    %dma_start3A_31 = tpu.memref_squeeze %dma_start3A_30 : memref<1x128xi32, #tpu.memory_space<vmem>> -> memref<128xi32, #tpu.memory_space<vmem>>
    %dma_start3A_32 = arith.constant 0 : i32
    %dma_start3A_33 = arith.constant 0 : i32
    %dma_start3A_34 = tpu.memref_slice %arg3[%dma_start3A_32, %dma_start3A_33] : memref<1000000x128xf32, #tpu.memory_space<hbm>> -> memref<1000000x128xf32, #tpu.memory_space<hbm>>
    tpu.enqueue_indirect_dma source(%dma_start3A_34 : memref<1000000x128xf32, #tpu.memory_space<hbm>>) target(%arg15 : memref<128x128xf32, #tpu.memory_space<vmem>>) offsets(%dma_start3A_31 : memref<128xi32, #tpu.memory_space<vmem>>) semaphore(%arg18 : memref<!tpu.dma_semaphore, #tpu.memory_space<semaphore_mem>>)
    %dma_wait3A = arith.constant 0 : i32
    %dma_wait3A_35 = arith.constant 0 : i32
    %dma_wait3A_36 = tpu.memref_slice %arg10[%dma_wait3A, %dma_wait3A_35] : memref<2x128xi32, #tpu.memory_space<vmem>> -> memref<1x128xi32, #tpu.memory_space<vmem>>
    %dma_wait3A_37 = tpu.memref_squeeze %dma_wait3A_36 : memref<1x128xi32, #tpu.memory_space<vmem>> -> memref<128xi32, #tpu.memory_space<vmem>>
    %dma_wait3A_38 = arith.constant 0 : i32
    %dma_wait3A_39 = arith.constant 0 : i32
    %dma_wait3A_40 = tpu.memref_slice %arg2[%dma_wait3A_38, %dma_wait3A_39] : memref<100000x128xf32, #tpu.memory_space<hbm>> -> memref<100000x128xf32, #tpu.memory_space<hbm>>
    tpu.wait_indirect_dma semaphore(%arg16 : memref<!tpu.dma_semaphore, #tpu.memory_space<semaphore_mem>>) src(%dma_wait3A_40 : memref<100000x128xf32, #tpu.memory_space<hbm>>) dst(%arg13 : memref<128x128xf32, #tpu.memory_space<vmem>>)
    %add3A_41 = arith.constant 0 : i32
    %add3A_42 = arith.addi %mul3A_2, %add3A_41 : i32
    %dma_start3A_43 = arith.constant 0 : i32
    %dma_start3A_44 = tpu.memref_slice %arg7[%add3A_42, %dma_start3A_43] : memref<8192x128xf32, #tpu.memory_space<hbm>> -> memref<128x128xf32, #tpu.memory_space<hbm>>
    %dma_start3A_45 = arith.constant 0 : i32
    %dma_start3A_46 = tpu.memref_slice %arg7[%add3A_42, %dma_start3A_45] : memref<8192x128xf32, #tpu.memory_space<hbm>> -> memref<128x128xf32, #tpu.memory_space<hbm>>
    tpu.enqueue_dma source(%arg13 : memref<128x128xf32, #tpu.memory_space<vmem>>) target(%dma_start3A_46 : memref<128x128xf32, #tpu.memory_space<hbm>>) target_semaphore(%arg19 : memref<!tpu.dma_semaphore, #tpu.memory_space<semaphore_mem>>)
    %dma_wait3A_47 = arith.constant 0 : i32
    %dma_wait3A_48 = tpu.memref_slice %arg7[%add3A_42, %dma_wait3A_47] : memref<8192x128xf32, #tpu.memory_space<hbm>> -> memref<128x128xf32, #tpu.memory_space<hbm>>
    %dma_wait3A_49 = arith.constant 0 : i32
    %dma_wait3A_50 = tpu.memref_slice %arg7[%add3A_42, %dma_wait3A_49] : memref<8192x128xf32, #tpu.memory_space<hbm>> -> memref<128x128xf32, #tpu.memory_space<hbm>>
    tpu.wait_dma2 semaphore(%arg19 : memref<!tpu.dma_semaphore, #tpu.memory_space<semaphore_mem>>) src(%arg13 : memref<128x128xf32, #tpu.memory_space<vmem>>) dst(%dma_wait3A_50 : memref<128x128xf32, #tpu.memory_space<hbm>>)
    %dma_start3A_51 = arith.constant 1 : i32
    %dma_start3A_52 = arith.constant 0 : i32
    %dma_start3A_53 = tpu.memref_slice %arg11[%dma_start3A_51, %dma_start3A_52] : memref<2x128xi32, #tpu.memory_space<vmem>> -> memref<1x128xi32, #tpu.memory_space<vmem>>
    %dma_start3A_54 = tpu.memref_squeeze %dma_start3A_53 : memref<1x128xi32, #tpu.memory_space<vmem>> -> memref<128xi32, #tpu.memory_space<vmem>>
    %dma_start3A_55 = arith.constant 0 : i32
    %dma_start3A_56 = arith.constant 0 : i32
    %dma_start3A_57 = tpu.memref_slice %arg3[%dma_start3A_55, %dma_start3A_56] : memref<1000000x128xf32, #tpu.memory_space<hbm>> -> memref<1000000x128xf32, #tpu.memory_space<hbm>>
    tpu.enqueue_indirect_dma source(%dma_start3A_57 : memref<1000000x128xf32, #tpu.memory_space<hbm>>) target(%arg13 : memref<128x128xf32, #tpu.memory_space<vmem>>) offsets(%dma_start3A_54 : memref<128xi32, #tpu.memory_space<vmem>>) semaphore(%arg16 : memref<!tpu.dma_semaphore, #tpu.memory_space<semaphore_mem>>)
    %dma_wait3A_58 = arith.constant 1 : i32
    %dma_wait3A_59 = arith.constant 0 : i32
    %dma_wait3A_60 = tpu.memref_slice %arg10[%dma_wait3A_58, %dma_wait3A_59] : memref<2x128xi32, #tpu.memory_space<vmem>> -> memref<1x128xi32, #tpu.memory_space<vmem>>
    %dma_wait3A_61 = tpu.memref_squeeze %dma_wait3A_60 : memref<1x128xi32, #tpu.memory_space<vmem>> -> memref<128xi32, #tpu.memory_space<vmem>>
    %dma_wait3A_62 = arith.constant 0 : i32
    %dma_wait3A_63 = arith.constant 0 : i32
    %dma_wait3A_64 = tpu.memref_slice %arg2[%dma_wait3A_62, %dma_wait3A_63] : memref<100000x128xf32, #tpu.memory_space<hbm>> -> memref<100000x128xf32, #tpu.memory_space<hbm>>
    tpu.wait_indirect_dma semaphore(%arg17 : memref<!tpu.dma_semaphore, #tpu.memory_space<semaphore_mem>>) src(%dma_wait3A_64 : memref<100000x128xf32, #tpu.memory_space<hbm>>) dst(%arg14 : memref<128x128xf32, #tpu.memory_space<vmem>>)
    %add3A_65 = arith.constant 128 : i32
    %add3A_66 = arith.addi %mul3A_2, %add3A_65 : i32
    %dma_start3A_67 = arith.constant 0 : i32
    %dma_start3A_68 = tpu.memref_slice %arg7[%add3A_66, %dma_start3A_67] : memref<8192x128xf32, #tpu.memory_space<hbm>> -> memref<128x128xf32, #tpu.memory_space<hbm>>
    %dma_start3A_69 = arith.constant 0 : i32
    %dma_start3A_70 = tpu.memref_slice %arg7[%add3A_66, %dma_start3A_69] : memref<8192x128xf32, #tpu.memory_space<hbm>> -> memref<128x128xf32, #tpu.memory_space<hbm>>
    tpu.enqueue_dma source(%arg14 : memref<128x128xf32, #tpu.memory_space<vmem>>) target(%dma_start3A_70 : memref<128x128xf32, #tpu.memory_space<hbm>>) target_semaphore(%arg20 : memref<!tpu.dma_semaphore, #tpu.memory_space<semaphore_mem>>)
    %dma_wait3A_71 = arith.constant 0 : i32
    %dma_wait3A_72 = tpu.memref_slice %arg7[%add3A_66, %dma_wait3A_71] : memref<8192x128xf32, #tpu.memory_space<hbm>> -> memref<128x128xf32, #tpu.memory_space<hbm>>
    %dma_wait3A_73 = arith.constant 0 : i32
    %dma_wait3A_74 = tpu.memref_slice %arg7[%add3A_66, %dma_wait3A_73] : memref<8192x128xf32, #tpu.memory_space<hbm>> -> memref<128x128xf32, #tpu.memory_space<hbm>>
    tpu.wait_dma2 semaphore(%arg20 : memref<!tpu.dma_semaphore, #tpu.memory_space<semaphore_mem>>) src(%arg14 : memref<128x128xf32, #tpu.memory_space<vmem>>) dst(%dma_wait3A_74 : memref<128x128xf32, #tpu.memory_space<hbm>>)
    %dma_start3A_75 = arith.constant 0 : i32
    %dma_start3A_76 = arith.constant 0 : i32
    %dma_start3A_77 = tpu.memref_slice %arg12[%dma_start3A_75, %dma_start3A_76] : memref<2x128xi32, #tpu.memory_space<vmem>> -> memref<1x128xi32, #tpu.memory_space<vmem>>
    %dma_start3A_78 = tpu.memref_squeeze %dma_start3A_77 : memref<1x128xi32, #tpu.memory_space<vmem>> -> memref<128xi32, #tpu.memory_space<vmem>>
    %dma_start3A_79 = arith.constant 0 : i32
    %dma_start3A_80 = arith.constant 0 : i32
    %dma_start3A_81 = tpu.memref_slice %arg3[%dma_start3A_79, %dma_start3A_80] : memref<1000000x128xf32, #tpu.memory_space<hbm>> -> memref<1000000x128xf32, #tpu.memory_space<hbm>>
    tpu.enqueue_indirect_dma source(%dma_start3A_81 : memref<1000000x128xf32, #tpu.memory_space<hbm>>) target(%arg14 : memref<128x128xf32, #tpu.memory_space<vmem>>) offsets(%dma_start3A_78 : memref<128xi32, #tpu.memory_space<vmem>>) semaphore(%arg17 : memref<!tpu.dma_semaphore, #tpu.memory_space<semaphore_mem>>)
    %dma_wait3A_82 = arith.constant 0 : i32
    %dma_wait3A_83 = arith.constant 0 : i32
    %dma_wait3A_84 = tpu.memref_slice %arg11[%dma_wait3A_82, %dma_wait3A_83] : memref<2x128xi32, #tpu.memory_space<vmem>> -> memref<1x128xi32, #tpu.memory_space<vmem>>
    %dma_wait3A_85 = tpu.memref_squeeze %dma_wait3A_84 : memref<1x128xi32, #tpu.memory_space<vmem>> -> memref<128xi32, #tpu.memory_space<vmem>>
    %dma_wait3A_86 = arith.constant 0 : i32
    %dma_wait3A_87 = arith.constant 0 : i32
    %dma_wait3A_88 = tpu.memref_slice %arg3[%dma_wait3A_86, %dma_wait3A_87] : memref<1000000x128xf32, #tpu.memory_space<hbm>> -> memref<1000000x128xf32, #tpu.memory_space<hbm>>
    tpu.wait_indirect_dma semaphore(%arg18 : memref<!tpu.dma_semaphore, #tpu.memory_space<semaphore_mem>>) src(%dma_wait3A_88 : memref<1000000x128xf32, #tpu.memory_space<hbm>>) dst(%arg15 : memref<128x128xf32, #tpu.memory_space<vmem>>)
    %add3A_89 = arith.constant 0 : i32
    %add3A_90 = arith.addi %mul3A_2, %add3A_89 : i32
    %dma_start3A_91 = arith.constant 0 : i32
    %dma_start3A_92 = tpu.memref_slice %arg8[%add3A_90, %dma_start3A_91] : memref<8192x128xf32, #tpu.memory_space<hbm>> -> memref<128x128xf32, #tpu.memory_space<hbm>>
    %dma_start3A_93 = arith.constant 0 : i32
    %dma_start3A_94 = tpu.memref_slice %arg8[%add3A_90, %dma_start3A_93] : memref<8192x128xf32, #tpu.memory_space<hbm>> -> memref<128x128xf32, #tpu.memory_space<hbm>>
    tpu.enqueue_dma source(%arg15 : memref<128x128xf32, #tpu.memory_space<vmem>>) target(%dma_start3A_94 : memref<128x128xf32, #tpu.memory_space<hbm>>) target_semaphore(%arg21 : memref<!tpu.dma_semaphore, #tpu.memory_space<semaphore_mem>>)
    %dma_wait3A_95 = arith.constant 0 : i32
    %dma_wait3A_96 = tpu.memref_slice %arg8[%add3A_90, %dma_wait3A_95] : memref<8192x128xf32, #tpu.memory_space<hbm>> -> memref<128x128xf32, #tpu.memory_space<hbm>>
    %dma_wait3A_97 = arith.constant 0 : i32
    %dma_wait3A_98 = tpu.memref_slice %arg8[%add3A_90, %dma_wait3A_97] : memref<8192x128xf32, #tpu.memory_space<hbm>> -> memref<128x128xf32, #tpu.memory_space<hbm>>
    tpu.wait_dma2 semaphore(%arg21 : memref<!tpu.dma_semaphore, #tpu.memory_space<semaphore_mem>>) src(%arg15 : memref<128x128xf32, #tpu.memory_space<vmem>>) dst(%dma_wait3A_98 : memref<128x128xf32, #tpu.memory_space<hbm>>)
    %dma_start3A_99 = arith.constant 1 : i32
    %dma_start3A_100 = arith.constant 0 : i32
    %dma_start3A_101 = tpu.memref_slice %arg12[%dma_start3A_99, %dma_start3A_100] : memref<2x128xi32, #tpu.memory_space<vmem>> -> memref<1x128xi32, #tpu.memory_space<vmem>>
    %dma_start3A_102 = tpu.memref_squeeze %dma_start3A_101 : memref<1x128xi32, #tpu.memory_space<vmem>> -> memref<128xi32, #tpu.memory_space<vmem>>
    %dma_start3A_103 = arith.constant 0 : i32
    %dma_start3A_104 = arith.constant 0 : i32
    %dma_start3A_105 = tpu.memref_slice %arg3[%dma_start3A_103, %dma_start3A_104] : memref<1000000x128xf32, #tpu.memory_space<hbm>> -> memref<1000000x128xf32, #tpu.memory_space<hbm>>
    tpu.enqueue_indirect_dma source(%dma_start3A_105 : memref<1000000x128xf32, #tpu.memory_space<hbm>>) target(%arg15 : memref<128x128xf32, #tpu.memory_space<vmem>>) offsets(%dma_start3A_102 : memref<128xi32, #tpu.memory_space<vmem>>) semaphore(%arg18 : memref<!tpu.dma_semaphore, #tpu.memory_space<semaphore_mem>>)
    %dma_wait3A_106 = arith.constant 1 : i32
    %dma_wait3A_107 = arith.constant 0 : i32
    %dma_wait3A_108 = tpu.memref_slice %arg11[%dma_wait3A_106, %dma_wait3A_107] : memref<2x128xi32, #tpu.memory_space<vmem>> -> memref<1x128xi32, #tpu.memory_space<vmem>>
    %dma_wait3A_109 = tpu.memref_squeeze %dma_wait3A_108 : memref<1x128xi32, #tpu.memory_space<vmem>> -> memref<128xi32, #tpu.memory_space<vmem>>
    %dma_wait3A_110 = arith.constant 0 : i32
    %dma_wait3A_111 = arith.constant 0 : i32
    %dma_wait3A_112 = tpu.memref_slice %arg3[%dma_wait3A_110, %dma_wait3A_111] : memref<1000000x128xf32, #tpu.memory_space<hbm>> -> memref<1000000x128xf32, #tpu.memory_space<hbm>>
    tpu.wait_indirect_dma semaphore(%arg16 : memref<!tpu.dma_semaphore, #tpu.memory_space<semaphore_mem>>) src(%dma_wait3A_112 : memref<1000000x128xf32, #tpu.memory_space<hbm>>) dst(%arg13 : memref<128x128xf32, #tpu.memory_space<vmem>>)
    %add3A_113 = arith.constant 128 : i32
    %add3A_114 = arith.addi %mul3A_2, %add3A_113 : i32
    %dma_start3A_115 = arith.constant 0 : i32
    %dma_start3A_116 = tpu.memref_slice %arg8[%add3A_114, %dma_start3A_115] : memref<8192x128xf32, #tpu.memory_space<hbm>> -> memref<128x128xf32, #tpu.memory_space<hbm>>
    %dma_start3A_117 = arith.constant 0 : i32
    %dma_start3A_118 = tpu.memref_slice %arg8[%add3A_114, %dma_start3A_117] : memref<8192x128xf32, #tpu.memory_space<hbm>> -> memref<128x128xf32, #tpu.memory_space<hbm>>
    tpu.enqueue_dma source(%arg13 : memref<128x128xf32, #tpu.memory_space<vmem>>) target(%dma_start3A_118 : memref<128x128xf32, #tpu.memory_space<hbm>>) target_semaphore(%arg19 : memref<!tpu.dma_semaphore, #tpu.memory_space<semaphore_mem>>)
    %dma_wait3A_119 = arith.constant 0 : i32
    %dma_wait3A_120 = arith.constant 0 : i32
    %dma_wait3A_121 = tpu.memref_slice %arg12[%dma_wait3A_119, %dma_wait3A_120] : memref<2x128xi32, #tpu.memory_space<vmem>> -> memref<1x128xi32, #tpu.memory_space<vmem>>
    %dma_wait3A_122 = tpu.memref_squeeze %dma_wait3A_121 : memref<1x128xi32, #tpu.memory_space<vmem>> -> memref<128xi32, #tpu.memory_space<vmem>>
    %dma_wait3A_123 = arith.constant 0 : i32
    %dma_wait3A_124 = arith.constant 0 : i32
    %dma_wait3A_125 = tpu.memref_slice %arg3[%dma_wait3A_123, %dma_wait3A_124] : memref<1000000x128xf32, #tpu.memory_space<hbm>> -> memref<1000000x128xf32, #tpu.memory_space<hbm>>
    tpu.wait_indirect_dma semaphore(%arg17 : memref<!tpu.dma_semaphore, #tpu.memory_space<semaphore_mem>>) src(%dma_wait3A_125 : memref<1000000x128xf32, #tpu.memory_space<hbm>>) dst(%arg14 : memref<128x128xf32, #tpu.memory_space<vmem>>)
    %add3A_126 = arith.constant 0 : i32
    %add3A_127 = arith.addi %mul3A_2, %add3A_126 : i32
    %dma_start3A_128 = arith.constant 0 : i32
    %dma_start3A_129 = tpu.memref_slice %arg9[%add3A_127, %dma_start3A_128] : memref<8192x128xf32, #tpu.memory_space<hbm>> -> memref<128x128xf32, #tpu.memory_space<hbm>>
    %dma_start3A_130 = arith.constant 0 : i32
    %dma_start3A_131 = tpu.memref_slice %arg9[%add3A_127, %dma_start3A_130] : memref<8192x128xf32, #tpu.memory_space<hbm>> -> memref<128x128xf32, #tpu.memory_space<hbm>>
    tpu.enqueue_dma source(%arg14 : memref<128x128xf32, #tpu.memory_space<vmem>>) target(%dma_start3A_131 : memref<128x128xf32, #tpu.memory_space<hbm>>) target_semaphore(%arg20 : memref<!tpu.dma_semaphore, #tpu.memory_space<semaphore_mem>>)
    %dma_wait3A_132 = arith.constant 1 : i32
    %dma_wait3A_133 = arith.constant 0 : i32
    %dma_wait3A_134 = tpu.memref_slice %arg12[%dma_wait3A_132, %dma_wait3A_133] : memref<2x128xi32, #tpu.memory_space<vmem>> -> memref<1x128xi32, #tpu.memory_space<vmem>>
    %dma_wait3A_135 = tpu.memref_squeeze %dma_wait3A_134 : memref<1x128xi32, #tpu.memory_space<vmem>> -> memref<128xi32, #tpu.memory_space<vmem>>
    %dma_wait3A_136 = arith.constant 0 : i32
    %dma_wait3A_137 = arith.constant 0 : i32
    %dma_wait3A_138 = tpu.memref_slice %arg3[%dma_wait3A_136, %dma_wait3A_137] : memref<1000000x128xf32, #tpu.memory_space<hbm>> -> memref<1000000x128xf32, #tpu.memory_space<hbm>>
    tpu.wait_indirect_dma semaphore(%arg18 : memref<!tpu.dma_semaphore, #tpu.memory_space<semaphore_mem>>) src(%dma_wait3A_138 : memref<1000000x128xf32, #tpu.memory_space<hbm>>) dst(%arg15 : memref<128x128xf32, #tpu.memory_space<vmem>>)
    %add3A_139 = arith.constant 128 : i32
    %add3A_140 = arith.addi %mul3A_2, %add3A_139 : i32
    %dma_start3A_141 = arith.constant 0 : i32
    %dma_start3A_142 = tpu.memref_slice %arg9[%add3A_140, %dma_start3A_141] : memref<8192x128xf32, #tpu.memory_space<hbm>> -> memref<128x128xf32, #tpu.memory_space<hbm>>
    %dma_start3A_143 = arith.constant 0 : i32
    %dma_start3A_144 = tpu.memref_slice %arg9[%add3A_140, %dma_start3A_143] : memref<8192x128xf32, #tpu.memory_space<hbm>> -> memref<128x128xf32, #tpu.memory_space<hbm>>
    tpu.enqueue_dma source(%arg15 : memref<128x128xf32, #tpu.memory_space<vmem>>) target(%dma_start3A_144 : memref<128x128xf32, #tpu.memory_space<hbm>>) target_semaphore(%arg21 : memref<!tpu.dma_semaphore, #tpu.memory_space<semaphore_mem>>)
    %dma_wait3A_145 = arith.constant 0 : i32
    %dma_wait3A_146 = tpu.memref_slice %arg8[%add3A_114, %dma_wait3A_145] : memref<8192x128xf32, #tpu.memory_space<hbm>> -> memref<128x128xf32, #tpu.memory_space<hbm>>
    %dma_wait3A_147 = arith.constant 0 : i32
    %dma_wait3A_148 = tpu.memref_slice %arg8[%add3A_114, %dma_wait3A_147] : memref<8192x128xf32, #tpu.memory_space<hbm>> -> memref<128x128xf32, #tpu.memory_space<hbm>>
    tpu.wait_dma2 semaphore(%arg19 : memref<!tpu.dma_semaphore, #tpu.memory_space<semaphore_mem>>) src(%arg13 : memref<128x128xf32, #tpu.memory_space<vmem>>) dst(%dma_wait3A_148 : memref<128x128xf32, #tpu.memory_space<hbm>>)
    %dma_wait3A_149 = arith.constant 0 : i32
    %dma_wait3A_150 = tpu.memref_slice %arg9[%add3A_127, %dma_wait3A_149] : memref<8192x128xf32, #tpu.memory_space<hbm>> -> memref<128x128xf32, #tpu.memory_space<hbm>>
    %dma_wait3A_151 = arith.constant 0 : i32
    %dma_wait3A_152 = tpu.memref_slice %arg9[%add3A_127, %dma_wait3A_151] : memref<8192x128xf32, #tpu.memory_space<hbm>> -> memref<128x128xf32, #tpu.memory_space<hbm>>
    tpu.wait_dma2 semaphore(%arg20 : memref<!tpu.dma_semaphore, #tpu.memory_space<semaphore_mem>>) src(%arg14 : memref<128x128xf32, #tpu.memory_space<vmem>>) dst(%dma_wait3A_152 : memref<128x128xf32, #tpu.memory_space<hbm>>)
    %dma_wait3A_153 = arith.constant 0 : i32
    %dma_wait3A_154 = tpu.memref_slice %arg9[%add3A_140, %dma_wait3A_153] : memref<8192x128xf32, #tpu.memory_space<hbm>> -> memref<128x128xf32, #tpu.memory_space<hbm>>
    %dma_wait3A_155 = arith.constant 0 : i32
    %dma_wait3A_156 = tpu.memref_slice %arg9[%add3A_140, %dma_wait3A_155] : memref<8192x128xf32, #tpu.memory_space<hbm>> -> memref<128x128xf32, #tpu.memory_space<hbm>>
    tpu.wait_dma2 semaphore(%arg21 : memref<!tpu.dma_semaphore, #tpu.memory_space<semaphore_mem>>) src(%arg15 : memref<128x128xf32, #tpu.memory_space<vmem>>) dst(%dma_wait3A_156 : memref<128x128xf32, #tpu.memory_space<hbm>>)
    return
  }
}

#map = affine_map<(d0, d1) -> (0, 0)>
module attributes {stable_mosaic.version = 14 : i64} {
  func.func @gather3(%arg0: i32, %arg1: i32, %arg2: memref<100000x128xf32, #tpu.memory_space<hbm>>, %arg3: memref<1000000x128xf32, #tpu.memory_space<hbm>>, %arg4: memref<128x128xi32, #tpu.memory_space<hbm>>, %arg5: memref<128x128xi32, #tpu.memory_space<hbm>>, %arg6: memref<128x128xi32, #tpu.memory_space<hbm>>, %arg7: memref<8192x128xf32, #tpu.memory_space<hbm>>, %arg8: memref<8192x128xf32, #tpu.memory_space<hbm>>, %arg9: memref<8192x128xf32, #tpu.memory_space<hbm>>, %arg10: memref<2x128xi32, #tpu.memory_space<vmem>>, %arg11: memref<2x128xi32, #tpu.memory_space<vmem>>, %arg12: memref<2x128xi32, #tpu.memory_space<vmem>>, %arg13: memref<128x128xf32, #tpu.memory_space<vmem>>, %arg14: memref<128x128xf32, #tpu.memory_space<vmem>>, %arg15: memref<128x128xf32, #tpu.memory_space<vmem>>, %arg16: memref<!tpu.dma_semaphore, #tpu.memory_space<semaphore_mem>>, %arg17: memref<!tpu.dma_semaphore, #tpu.memory_space<semaphore_mem>>, %arg18: memref<!tpu.dma_semaphore, #tpu.memory_space<semaphore_mem>>, %arg19: memref<!tpu.dma_semaphore, #tpu.memory_space<semaphore_mem>>, %arg20: memref<!tpu.dma_semaphore, #tpu.memory_space<semaphore_mem>>, %arg21: memref<!tpu.dma_semaphore, #tpu.memory_space<semaphore_mem>>) attributes {dimension_semantics = [#tpu.dimension_semantics<core_parallel>, #tpu.dimension_semantics<subcore_parallel>], iteration_bounds = array<i64: 2, 16>, scalar_prefetch = 0 : i64, scratch_operands = 12 : i64, tpu.core_type = #tpu.core_type<sc_vector_subcore>, window_params = [{transform_indices = #map}, {transform_indices = #map}, {transform_indices = #map}, {transform_indices = #map}, {transform_indices = #map}, {transform_indices = #map}, {transform_indices = #map}, {transform_indices = #map}]} {
    %mul3A = arith.constant 2 : i32
    %mul3A_0 = arith.muli %arg1, %mul3A : i32
    %add3A = arith.addi %mul3A_0, %arg0 : i32
    %mul3A_1 = arith.constant 256 : i32
    %mul3A_2 = arith.muli %add3A, %mul3A_1 : i32
    %mul3A_3 = arith.constant 2 : i32
    %mul3A_4 = arith.muli %add3A, %mul3A_3 : i32
    %add3A_5 = arith.constant 0 : i32
    %add3A_6 = arith.addi %add3A_5, %mul3A_4 : i32
    "tpu.region"() ({
      %run_scoped3A = tpu.sem_alloc : memref<!tpu.dma_semaphore, #tpu.memory_space<semaphore_mem>>
      %dma_start3A_157 = arith.constant 0 : i32
      %dma_start3A_158 = tpu.memref_slice %arg4[%add3A_6, %dma_start3A_157] : memref<128x128xi32, #tpu.memory_space<hbm>> -> memref<2x128xi32, #tpu.memory_space<hbm>>
      %dma_start3A_159 = arith.constant 0 : i32
      %dma_start3A_160 = tpu.memref_slice %arg4[%add3A_6, %dma_start3A_159] : memref<128x128xi32, #tpu.memory_space<hbm>> -> memref<2x128xi32, #tpu.memory_space<hbm>>
      tpu.enqueue_dma source(%dma_start3A_160 : memref<2x128xi32, #tpu.memory_space<hbm>>) target(%arg10 : memref<2x128xi32, #tpu.memory_space<vmem>>) target_semaphore(%run_scoped3A : memref<!tpu.dma_semaphore, #tpu.memory_space<semaphore_mem>>)
      %dma_wait3A_161 = arith.constant 0 : i32
      %dma_wait3A_162 = tpu.memref_slice %arg4[%add3A_6, %dma_wait3A_161] : memref<128x128xi32, #tpu.memory_space<hbm>> -> memref<2x128xi32, #tpu.memory_space<hbm>>
      %dma_wait3A_163 = arith.constant 0 : i32
      %dma_wait3A_164 = tpu.memref_slice %arg4[%add3A_6, %dma_wait3A_163] : memref<128x128xi32, #tpu.memory_space<hbm>> -> memref<2x128xi32, #tpu.memory_space<hbm>>
      tpu.wait_dma2 semaphore(%run_scoped3A : memref<!tpu.dma_semaphore, #tpu.memory_space<semaphore_mem>>) src(%dma_wait3A_164 : memref<2x128xi32, #tpu.memory_space<hbm>>) dst(%arg10 : memref<2x128xi32, #tpu.memory_space<vmem>>)
      tpu.yield
    }) : () -> ()
    %mul3A_7 = arith.constant 2 : i32
    %mul3A_8 = arith.muli %add3A, %mul3A_7 : i32
    %add3A_9 = arith.constant 0 : i32
    %add3A_10 = arith.addi %add3A_9, %mul3A_8 : i32
    "tpu.region"() ({
      %run_scoped3A = tpu.sem_alloc : memref<!tpu.dma_semaphore, #tpu.memory_space<semaphore_mem>>
      %dma_start3A_157 = arith.constant 0 : i32
      %dma_start3A_158 = tpu.memref_slice %arg5[%add3A_10, %dma_start3A_157] : memref<128x128xi32, #tpu.memory_space<hbm>> -> memref<2x128xi32, #tpu.memory_space<hbm>>
      %dma_start3A_159 = arith.constant 0 : i32
      %dma_start3A_160 = tpu.memref_slice %arg5[%add3A_10, %dma_start3A_159] : memref<128x128xi32, #tpu.memory_space<hbm>> -> memref<2x128xi32, #tpu.memory_space<hbm>>
      tpu.enqueue_dma source(%dma_start3A_160 : memref<2x128xi32, #tpu.memory_space<hbm>>) target(%arg11 : memref<2x128xi32, #tpu.memory_space<vmem>>) target_semaphore(%run_scoped3A : memref<!tpu.dma_semaphore, #tpu.memory_space<semaphore_mem>>)
      %dma_wait3A_161 = arith.constant 0 : i32
      %dma_wait3A_162 = tpu.memref_slice %arg5[%add3A_10, %dma_wait3A_161] : memref<128x128xi32, #tpu.memory_space<hbm>> -> memref<2x128xi32, #tpu.memory_space<hbm>>
      %dma_wait3A_163 = arith.constant 0 : i32
      %dma_wait3A_164 = tpu.memref_slice %arg5[%add3A_10, %dma_wait3A_163] : memref<128x128xi32, #tpu.memory_space<hbm>> -> memref<2x128xi32, #tpu.memory_space<hbm>>
      tpu.wait_dma2 semaphore(%run_scoped3A : memref<!tpu.dma_semaphore, #tpu.memory_space<semaphore_mem>>) src(%dma_wait3A_164 : memref<2x128xi32, #tpu.memory_space<hbm>>) dst(%arg11 : memref<2x128xi32, #tpu.memory_space<vmem>>)
      tpu.yield
    }) : () -> ()
    %mul3A_11 = arith.constant 2 : i32
    %mul3A_12 = arith.muli %add3A, %mul3A_11 : i32
    %add3A_13 = arith.constant 0 : i32
    %add3A_14 = arith.addi %add3A_13, %mul3A_12 : i32
    "tpu.region"() ({
      %run_scoped3A = tpu.sem_alloc : memref<!tpu.dma_semaphore, #tpu.memory_space<semaphore_mem>>
      %dma_start3A_157 = arith.constant 0 : i32
      %dma_start3A_158 = tpu.memref_slice %arg6[%add3A_14, %dma_start3A_157] : memref<128x128xi32, #tpu.memory_space<hbm>> -> memref<2x128xi32, #tpu.memory_space<hbm>>
      %dma_start3A_159 = arith.constant 0 : i32
      %dma_start3A_160 = tpu.memref_slice %arg6[%add3A_14, %dma_start3A_159] : memref<128x128xi32, #tpu.memory_space<hbm>> -> memref<2x128xi32, #tpu.memory_space<hbm>>
      tpu.enqueue_dma source(%dma_start3A_160 : memref<2x128xi32, #tpu.memory_space<hbm>>) target(%arg12 : memref<2x128xi32, #tpu.memory_space<vmem>>) target_semaphore(%run_scoped3A : memref<!tpu.dma_semaphore, #tpu.memory_space<semaphore_mem>>)
      %dma_wait3A_161 = arith.constant 0 : i32
      %dma_wait3A_162 = tpu.memref_slice %arg6[%add3A_14, %dma_wait3A_161] : memref<128x128xi32, #tpu.memory_space<hbm>> -> memref<2x128xi32, #tpu.memory_space<hbm>>
      %dma_wait3A_163 = arith.constant 0 : i32
      %dma_wait3A_164 = tpu.memref_slice %arg6[%add3A_14, %dma_wait3A_163] : memref<128x128xi32, #tpu.memory_space<hbm>> -> memref<2x128xi32, #tpu.memory_space<hbm>>
      tpu.wait_dma2 semaphore(%run_scoped3A : memref<!tpu.dma_semaphore, #tpu.memory_space<semaphore_mem>>) src(%dma_wait3A_164 : memref<2x128xi32, #tpu.memory_space<hbm>>) dst(%arg12 : memref<2x128xi32, #tpu.memory_space<vmem>>)
      tpu.yield
    }) : () -> ()
    %dma_start3A = arith.constant 0 : i32
    %dma_start3A_15 = arith.constant 0 : i32
    %dma_start3A_16 = tpu.memref_slice %arg10[%dma_start3A, %dma_start3A_15] : memref<2x128xi32, #tpu.memory_space<vmem>> -> memref<1x128xi32, #tpu.memory_space<vmem>>
    %dma_start3A_17 = tpu.memref_squeeze %dma_start3A_16 : memref<1x128xi32, #tpu.memory_space<vmem>> -> memref<128xi32, #tpu.memory_space<vmem>>
    %dma_start3A_18 = arith.constant 0 : i32
    %dma_start3A_19 = arith.constant 0 : i32
    %dma_start3A_20 = tpu.memref_slice %arg2[%dma_start3A_18, %dma_start3A_19] : memref<100000x128xf32, #tpu.memory_space<hbm>> -> memref<100000x128xf32, #tpu.memory_space<hbm>>
    tpu.enqueue_indirect_dma source(%dma_start3A_20 : memref<100000x128xf32, #tpu.memory_space<hbm>>) target(%arg13 : memref<128x128xf32, #tpu.memory_space<vmem>>) offsets(%dma_start3A_17 : memref<128xi32, #tpu.memory_space<vmem>>) semaphore(%arg16 : memref<!tpu.dma_semaphore, #tpu.memory_space<semaphore_mem>>)
    %dma_start3A_21 = arith.constant 1 : i32
    %dma_start3A_22 = arith.constant 0 : i32
    %dma_start3A_23 = tpu.memref_slice %arg10[%dma_start3A_21, %dma_start3A_22] : memref<2x128xi32, #tpu.memory_space<vmem>> -> memref<1x128xi32, #tpu.memory_space<vmem>>
    %dma_start3A_24 = tpu.memref_squeeze %dma_start3A_23 : memref<1x128xi32, #tpu.memory_space<vmem>> -> memref<128xi32, #tpu.memory_space<vmem>>
    %dma_start3A_25 = arith.constant 0 : i32
    %dma_start3A_26 = arith.constant 0 : i32
    %dma_start3A_27 = tpu.memref_slice %arg2[%dma_start3A_25, %dma_start3A_26] : memref<100000x128xf32, #tpu.memory_space<hbm>> -> memref<100000x128xf32, #tpu.memory_space<hbm>>
    tpu.enqueue_indirect_dma source(%dma_start3A_27 : memref<100000x128xf32, #tpu.memory_space<hbm>>) target(%arg14 : memref<128x128xf32, #tpu.memory_space<vmem>>) offsets(%dma_start3A_24 : memref<128xi32, #tpu.memory_space<vmem>>) semaphore(%arg17 : memref<!tpu.dma_semaphore, #tpu.memory_space<semaphore_mem>>)
    %dma_start3A_28 = arith.constant 0 : i32
    %dma_start3A_29 = arith.constant 0 : i32
    %dma_start3A_30 = tpu.memref_slice %arg11[%dma_start3A_28, %dma_start3A_29] : memref<2x128xi32, #tpu.memory_space<vmem>> -> memref<1x128xi32, #tpu.memory_space<vmem>>
    %dma_start3A_31 = tpu.memref_squeeze %dma_start3A_30 : memref<1x128xi32, #tpu.memory_space<vmem>> -> memref<128xi32, #tpu.memory_space<vmem>>
    %dma_start3A_32 = arith.constant 0 : i32
    %dma_start3A_33 = arith.constant 0 : i32
    %dma_start3A_34 = tpu.memref_slice %arg3[%dma_start3A_32, %dma_start3A_33] : memref<1000000x128xf32, #tpu.memory_space<hbm>> -> memref<1000000x128xf32, #tpu.memory_space<hbm>>
    tpu.enqueue_indirect_dma source(%dma_start3A_34 : memref<1000000x128xf32, #tpu.memory_space<hbm>>) target(%arg15 : memref<128x128xf32, #tpu.memory_space<vmem>>) offsets(%dma_start3A_31 : memref<128xi32, #tpu.memory_space<vmem>>) semaphore(%arg18 : memref<!tpu.dma_semaphore, #tpu.memory_space<semaphore_mem>>)
    %dma_wait3A = arith.constant 0 : i32
    %dma_wait3A_35 = arith.constant 0 : i32
    %dma_wait3A_36 = tpu.memref_slice %arg10[%dma_wait3A, %dma_wait3A_35] : memref<2x128xi32, #tpu.memory_space<vmem>> -> memref<1x128xi32, #tpu.memory_space<vmem>>
    %dma_wait3A_37 = tpu.memref_squeeze %dma_wait3A_36 : memref<1x128xi32, #tpu.memory_space<vmem>> -> memref<128xi32, #tpu.memory_space<vmem>>
    %dma_wait3A_38 = arith.constant 0 : i32
    %dma_wait3A_39 = arith.constant 0 : i32
    %dma_wait3A_40 = tpu.memref_slice %arg2[%dma_wait3A_38, %dma_wait3A_39] : memref<100000x128xf32, #tpu.memory_space<hbm>> -> memref<100000x128xf32, #tpu.memory_space<hbm>>
    tpu.wait_indirect_dma semaphore(%arg16 : memref<!tpu.dma_semaphore, #tpu.memory_space<semaphore_mem>>) src(%dma_wait3A_40 : memref<100000x128xf32, #tpu.memory_space<hbm>>) dst(%arg13 : memref<128x128xf32, #tpu.memory_space<vmem>>)
    %add3A_41 = arith.constant 0 : i32
    %add3A_42 = arith.addi %mul3A_2, %add3A_41 : i32
    %dma_start3A_43 = arith.constant 0 : i32
    %dma_start3A_44 = tpu.memref_slice %arg7[%add3A_42, %dma_start3A_43] : memref<8192x128xf32, #tpu.memory_space<hbm>> -> memref<128x128xf32, #tpu.memory_space<hbm>>
    %dma_start3A_45 = arith.constant 0 : i32
    %dma_start3A_46 = tpu.memref_slice %arg7[%add3A_42, %dma_start3A_45] : memref<8192x128xf32, #tpu.memory_space<hbm>> -> memref<128x128xf32, #tpu.memory_space<hbm>>
    tpu.enqueue_dma source(%arg13 : memref<128x128xf32, #tpu.memory_space<vmem>>) target(%dma_start3A_46 : memref<128x128xf32, #tpu.memory_space<hbm>>) target_semaphore(%arg19 : memref<!tpu.dma_semaphore, #tpu.memory_space<semaphore_mem>>)
    %dma_wait3A_47 = arith.constant 0 : i32
    %dma_wait3A_48 = tpu.memref_slice %arg7[%add3A_42, %dma_wait3A_47] : memref<8192x128xf32, #tpu.memory_space<hbm>> -> memref<128x128xf32, #tpu.memory_space<hbm>>
    %dma_wait3A_49 = arith.constant 0 : i32
    %dma_wait3A_50 = tpu.memref_slice %arg7[%add3A_42, %dma_wait3A_49] : memref<8192x128xf32, #tpu.memory_space<hbm>> -> memref<128x128xf32, #tpu.memory_space<hbm>>
    tpu.wait_dma2 semaphore(%arg19 : memref<!tpu.dma_semaphore, #tpu.memory_space<semaphore_mem>>) src(%arg13 : memref<128x128xf32, #tpu.memory_space<vmem>>) dst(%dma_wait3A_50 : memref<128x128xf32, #tpu.memory_space<hbm>>)
    %dma_start3A_51 = arith.constant 1 : i32
    %dma_start3A_52 = arith.constant 0 : i32
    %dma_start3A_53 = tpu.memref_slice %arg11[%dma_start3A_51, %dma_start3A_52] : memref<2x128xi32, #tpu.memory_space<vmem>> -> memref<1x128xi32, #tpu.memory_space<vmem>>
    %dma_start3A_54 = tpu.memref_squeeze %dma_start3A_53 : memref<1x128xi32, #tpu.memory_space<vmem>> -> memref<128xi32, #tpu.memory_space<vmem>>
    %dma_start3A_55 = arith.constant 0 : i32
    %dma_start3A_56 = arith.constant 0 : i32
    %dma_start3A_57 = tpu.memref_slice %arg3[%dma_start3A_55, %dma_start3A_56] : memref<1000000x128xf32, #tpu.memory_space<hbm>> -> memref<1000000x128xf32, #tpu.memory_space<hbm>>
    tpu.enqueue_indirect_dma source(%dma_start3A_57 : memref<1000000x128xf32, #tpu.memory_space<hbm>>) target(%arg13 : memref<128x128xf32, #tpu.memory_space<vmem>>) offsets(%dma_start3A_54 : memref<128xi32, #tpu.memory_space<vmem>>) semaphore(%arg16 : memref<!tpu.dma_semaphore, #tpu.memory_space<semaphore_mem>>)
    %dma_wait3A_58 = arith.constant 1 : i32
    %dma_wait3A_59 = arith.constant 0 : i32
    %dma_wait3A_60 = tpu.memref_slice %arg10[%dma_wait3A_58, %dma_wait3A_59] : memref<2x128xi32, #tpu.memory_space<vmem>> -> memref<1x128xi32, #tpu.memory_space<vmem>>
    %dma_wait3A_61 = tpu.memref_squeeze %dma_wait3A_60 : memref<1x128xi32, #tpu.memory_space<vmem>> -> memref<128xi32, #tpu.memory_space<vmem>>
    %dma_wait3A_62 = arith.constant 0 : i32
    %dma_wait3A_63 = arith.constant 0 : i32
    %dma_wait3A_64 = tpu.memref_slice %arg2[%dma_wait3A_62, %dma_wait3A_63] : memref<100000x128xf32, #tpu.memory_space<hbm>> -> memref<100000x128xf32, #tpu.memory_space<hbm>>
    tpu.wait_indirect_dma semaphore(%arg17 : memref<!tpu.dma_semaphore, #tpu.memory_space<semaphore_mem>>) src(%dma_wait3A_64 : memref<100000x128xf32, #tpu.memory_space<hbm>>) dst(%arg14 : memref<128x128xf32, #tpu.memory_space<vmem>>)
    %add3A_65 = arith.constant 128 : i32
    %add3A_66 = arith.addi %mul3A_2, %add3A_65 : i32
    %dma_start3A_67 = arith.constant 0 : i32
    %dma_start3A_68 = tpu.memref_slice %arg7[%add3A_66, %dma_start3A_67] : memref<8192x128xf32, #tpu.memory_space<hbm>> -> memref<128x128xf32, #tpu.memory_space<hbm>>
    %dma_start3A_69 = arith.constant 0 : i32
    %dma_start3A_70 = tpu.memref_slice %arg7[%add3A_66, %dma_start3A_69] : memref<8192x128xf32, #tpu.memory_space<hbm>> -> memref<128x128xf32, #tpu.memory_space<hbm>>
    tpu.enqueue_dma source(%arg14 : memref<128x128xf32, #tpu.memory_space<vmem>>) target(%dma_start3A_70 : memref<128x128xf32, #tpu.memory_space<hbm>>) target_semaphore(%arg20 : memref<!tpu.dma_semaphore, #tpu.memory_space<semaphore_mem>>)
    %dma_wait3A_71 = arith.constant 0 : i32
    %dma_wait3A_72 = tpu.memref_slice %arg7[%add3A_66, %dma_wait3A_71] : memref<8192x128xf32, #tpu.memory_space<hbm>> -> memref<128x128xf32, #tpu.memory_space<hbm>>
    %dma_wait3A_73 = arith.constant 0 : i32
    %dma_wait3A_74 = tpu.memref_slice %arg7[%add3A_66, %dma_wait3A_73] : memref<8192x128xf32, #tpu.memory_space<hbm>> -> memref<128x128xf32, #tpu.memory_space<hbm>>
    tpu.wait_dma2 semaphore(%arg20 : memref<!tpu.dma_semaphore, #tpu.memory_space<semaphore_mem>>) src(%arg14 : memref<128x128xf32, #tpu.memory_space<vmem>>) dst(%dma_wait3A_74 : memref<128x128xf32, #tpu.memory_space<hbm>>)
    %dma_start3A_75 = arith.constant 0 : i32
    %dma_start3A_76 = arith.constant 0 : i32
    %dma_start3A_77 = tpu.memref_slice %arg12[%dma_start3A_75, %dma_start3A_76] : memref<2x128xi32, #tpu.memory_space<vmem>> -> memref<1x128xi32, #tpu.memory_space<vmem>>
    %dma_start3A_78 = tpu.memref_squeeze %dma_start3A_77 : memref<1x128xi32, #tpu.memory_space<vmem>> -> memref<128xi32, #tpu.memory_space<vmem>>
    %dma_start3A_79 = arith.constant 0 : i32
    %dma_start3A_80 = arith.constant 0 : i32
    %dma_start3A_81 = tpu.memref_slice %arg3[%dma_start3A_79, %dma_start3A_80] : memref<1000000x128xf32, #tpu.memory_space<hbm>> -> memref<1000000x128xf32, #tpu.memory_space<hbm>>
    tpu.enqueue_indirect_dma source(%dma_start3A_81 : memref<1000000x128xf32, #tpu.memory_space<hbm>>) target(%arg14 : memref<128x128xf32, #tpu.memory_space<vmem>>) offsets(%dma_start3A_78 : memref<128xi32, #tpu.memory_space<vmem>>) semaphore(%arg17 : memref<!tpu.dma_semaphore, #tpu.memory_space<semaphore_mem>>)
    %dma_wait3A_82 = arith.constant 0 : i32
    %dma_wait3A_83 = arith.constant 0 : i32
    %dma_wait3A_84 = tpu.memref_slice %arg11[%dma_wait3A_82, %dma_wait3A_83] : memref<2x128xi32, #tpu.memory_space<vmem>> -> memref<1x128xi32, #tpu.memory_space<vmem>>
    %dma_wait3A_85 = tpu.memref_squeeze %dma_wait3A_84 : memref<1x128xi32, #tpu.memory_space<vmem>> -> memref<128xi32, #tpu.memory_space<vmem>>
    %dma_wait3A_86 = arith.constant 0 : i32
    %dma_wait3A_87 = arith.constant 0 : i32
    %dma_wait3A_88 = tpu.memref_slice %arg3[%dma_wait3A_86, %dma_wait3A_87] : memref<1000000x128xf32, #tpu.memory_space<hbm>> -> memref<1000000x128xf32, #tpu.memory_space<hbm>>
    tpu.wait_indirect_dma semaphore(%arg18 : memref<!tpu.dma_semaphore, #tpu.memory_space<semaphore_mem>>) src(%dma_wait3A_88 : memref<1000000x128xf32, #tpu.memory_space<hbm>>) dst(%arg15 : memref<128x128xf32, #tpu.memory_space<vmem>>)
    %add3A_89 = arith.constant 0 : i32
    %add3A_90 = arith.addi %mul3A_2, %add3A_89 : i32
    %dma_start3A_91 = arith.constant 0 : i32
    %dma_start3A_92 = tpu.memref_slice %arg8[%add3A_90, %dma_start3A_91] : memref<8192x128xf32, #tpu.memory_space<hbm>> -> memref<128x128xf32, #tpu.memory_space<hbm>>
    %dma_start3A_93 = arith.constant 0 : i32
    %dma_start3A_94 = tpu.memref_slice %arg8[%add3A_90, %dma_start3A_93] : memref<8192x128xf32, #tpu.memory_space<hbm>> -> memref<128x128xf32, #tpu.memory_space<hbm>>
    tpu.enqueue_dma source(%arg15 : memref<128x128xf32, #tpu.memory_space<vmem>>) target(%dma_start3A_94 : memref<128x128xf32, #tpu.memory_space<hbm>>) target_semaphore(%arg21 : memref<!tpu.dma_semaphore, #tpu.memory_space<semaphore_mem>>)
    %dma_wait3A_95 = arith.constant 0 : i32
    %dma_wait3A_96 = tpu.memref_slice %arg8[%add3A_90, %dma_wait3A_95] : memref<8192x128xf32, #tpu.memory_space<hbm>> -> memref<128x128xf32, #tpu.memory_space<hbm>>
    %dma_wait3A_97 = arith.constant 0 : i32
    %dma_wait3A_98 = tpu.memref_slice %arg8[%add3A_90, %dma_wait3A_97] : memref<8192x128xf32, #tpu.memory_space<hbm>> -> memref<128x128xf32, #tpu.memory_space<hbm>>
    tpu.wait_dma2 semaphore(%arg21 : memref<!tpu.dma_semaphore, #tpu.memory_space<semaphore_mem>>) src(%arg15 : memref<128x128xf32, #tpu.memory_space<vmem>>) dst(%dma_wait3A_98 : memref<128x128xf32, #tpu.memory_space<hbm>>)
    %dma_start3A_99 = arith.constant 1 : i32
    %dma_start3A_100 = arith.constant 0 : i32
    %dma_start3A_101 = tpu.memref_slice %arg12[%dma_start3A_99, %dma_start3A_100] : memref<2x128xi32, #tpu.memory_space<vmem>> -> memref<1x128xi32, #tpu.memory_space<vmem>>
    %dma_start3A_102 = tpu.memref_squeeze %dma_start3A_101 : memref<1x128xi32, #tpu.memory_space<vmem>> -> memref<128xi32, #tpu.memory_space<vmem>>
    %dma_start3A_103 = arith.constant 0 : i32
    %dma_start3A_104 = arith.constant 0 : i32
    %dma_start3A_105 = tpu.memref_slice %arg3[%dma_start3A_103, %dma_start3A_104] : memref<1000000x128xf32, #tpu.memory_space<hbm>> -> memref<1000000x128xf32, #tpu.memory_space<hbm>>
    tpu.enqueue_indirect_dma source(%dma_start3A_105 : memref<1000000x128xf32, #tpu.memory_space<hbm>>) target(%arg15 : memref<128x128xf32, #tpu.memory_space<vmem>>) offsets(%dma_start3A_102 : memref<128xi32, #tpu.memory_space<vmem>>) semaphore(%arg18 : memref<!tpu.dma_semaphore, #tpu.memory_space<semaphore_mem>>)
    %dma_wait3A_106 = arith.constant 1 : i32
    %dma_wait3A_107 = arith.constant 0 : i32
    %dma_wait3A_108 = tpu.memref_slice %arg11[%dma_wait3A_106, %dma_wait3A_107] : memref<2x128xi32, #tpu.memory_space<vmem>> -> memref<1x128xi32, #tpu.memory_space<vmem>>
    %dma_wait3A_109 = tpu.memref_squeeze %dma_wait3A_108 : memref<1x128xi32, #tpu.memory_space<vmem>> -> memref<128xi32, #tpu.memory_space<vmem>>
    %dma_wait3A_110 = arith.constant 0 : i32
    %dma_wait3A_111 = arith.constant 0 : i32
    %dma_wait3A_112 = tpu.memref_slice %arg3[%dma_wait3A_110, %dma_wait3A_111] : memref<1000000x128xf32, #tpu.memory_space<hbm>> -> memref<1000000x128xf32, #tpu.memory_space<hbm>>
    tpu.wait_indirect_dma semaphore(%arg16 : memref<!tpu.dma_semaphore, #tpu.memory_space<semaphore_mem>>) src(%dma_wait3A_112 : memref<1000000x128xf32, #tpu.memory_space<hbm>>) dst(%arg13 : memref<128x128xf32, #tpu.memory_space<vmem>>)
    %add3A_113 = arith.constant 128 : i32
    %add3A_114 = arith.addi %mul3A_2, %add3A_113 : i32
    %dma_start3A_115 = arith.constant 0 : i32
    %dma_start3A_116 = tpu.memref_slice %arg8[%add3A_114, %dma_start3A_115] : memref<8192x128xf32, #tpu.memory_space<hbm>> -> memref<128x128xf32, #tpu.memory_space<hbm>>
    %dma_start3A_117 = arith.constant 0 : i32
    %dma_start3A_118 = tpu.memref_slice %arg8[%add3A_114, %dma_start3A_117] : memref<8192x128xf32, #tpu.memory_space<hbm>> -> memref<128x128xf32, #tpu.memory_space<hbm>>
    tpu.enqueue_dma source(%arg13 : memref<128x128xf32, #tpu.memory_space<vmem>>) target(%dma_start3A_118 : memref<128x128xf32, #tpu.memory_space<hbm>>) target_semaphore(%arg19 : memref<!tpu.dma_semaphore, #tpu.memory_space<semaphore_mem>>)
    %dma_wait3A_119 = arith.constant 0 : i32
    %dma_wait3A_120 = arith.constant 0 : i32
    %dma_wait3A_121 = tpu.memref_slice %arg12[%dma_wait3A_119, %dma_wait3A_120] : memref<2x128xi32, #tpu.memory_space<vmem>> -> memref<1x128xi32, #tpu.memory_space<vmem>>
    %dma_wait3A_122 = tpu.memref_squeeze %dma_wait3A_121 : memref<1x128xi32, #tpu.memory_space<vmem>> -> memref<128xi32, #tpu.memory_space<vmem>>
    %dma_wait3A_123 = arith.constant 0 : i32
    %dma_wait3A_124 = arith.constant 0 : i32
    %dma_wait3A_125 = tpu.memref_slice %arg3[%dma_wait3A_123, %dma_wait3A_124] : memref<1000000x128xf32, #tpu.memory_space<hbm>> -> memref<1000000x128xf32, #tpu.memory_space<hbm>>
    tpu.wait_indirect_dma semaphore(%arg17 : memref<!tpu.dma_semaphore, #tpu.memory_space<semaphore_mem>>) src(%dma_wait3A_125 : memref<1000000x128xf32, #tpu.memory_space<hbm>>) dst(%arg14 : memref<128x128xf32, #tpu.memory_space<vmem>>)
    %add3A_126 = arith.constant 0 : i32
    %add3A_127 = arith.addi %mul3A_2, %add3A_126 : i32
    %dma_start3A_128 = arith.constant 0 : i32
    %dma_start3A_129 = tpu.memref_slice %arg9[%add3A_127, %dma_start3A_128] : memref<8192x128xf32, #tpu.memory_space<hbm>> -> memref<128x128xf32, #tpu.memory_space<hbm>>
    %dma_start3A_130 = arith.constant 0 : i32
    %dma_start3A_131 = tpu.memref_slice %arg9[%add3A_127, %dma_start3A_130] : memref<8192x128xf32, #tpu.memory_space<hbm>> -> memref<128x128xf32, #tpu.memory_space<hbm>>
    tpu.enqueue_dma source(%arg14 : memref<128x128xf32, #tpu.memory_space<vmem>>) target(%dma_start3A_131 : memref<128x128xf32, #tpu.memory_space<hbm>>) target_semaphore(%arg20 : memref<!tpu.dma_semaphore, #tpu.memory_space<semaphore_mem>>)
    %dma_wait3A_132 = arith.constant 1 : i32
    %dma_wait3A_133 = arith.constant 0 : i32
    %dma_wait3A_134 = tpu.memref_slice %arg12[%dma_wait3A_132, %dma_wait3A_133] : memref<2x128xi32, #tpu.memory_space<vmem>> -> memref<1x128xi32, #tpu.memory_space<vmem>>
    %dma_wait3A_135 = tpu.memref_squeeze %dma_wait3A_134 : memref<1x128xi32, #tpu.memory_space<vmem>> -> memref<128xi32, #tpu.memory_space<vmem>>
    %dma_wait3A_136 = arith.constant 0 : i32
    %dma_wait3A_137 = arith.constant 0 : i32
    %dma_wait3A_138 = tpu.memref_slice %arg3[%dma_wait3A_136, %dma_wait3A_137] : memref<1000000x128xf32, #tpu.memory_space<hbm>> -> memref<1000000x128xf32, #tpu.memory_space<hbm>>
    tpu.wait_indirect_dma semaphore(%arg18 : memref<!tpu.dma_semaphore, #tpu.memory_space<semaphore_mem>>) src(%dma_wait3A_138 : memref<1000000x128xf32, #tpu.memory_space<hbm>>) dst(%arg15 : memref<128x128xf32, #tpu.memory_space<vmem>>)
    %add3A_139 = arith.constant 128 : i32
    %add3A_140 = arith.addi %mul3A_2, %add3A_139 : i32
    %dma_start3A_141 = arith.constant 0 : i32
    %dma_start3A_142 = tpu.memref_slice %arg9[%add3A_140, %dma_start3A_141] : memref<8192x128xf32, #tpu.memory_space<hbm>> -> memref<128x128xf32, #tpu.memory_space<hbm>>
    %dma_start3A_143 = arith.constant 0 : i32
    %dma_start3A_144 = tpu.memref_slice %arg9[%add3A_140, %dma_start3A_143] : memref<8192x128xf32, #tpu.memory_space<hbm>> -> memref<128x128xf32, #tpu.memory_space<hbm>>
    tpu.enqueue_dma source(%arg15 : memref<128x128xf32, #tpu.memory_space<vmem>>) target(%dma_start3A_144 : memref<128x128xf32, #tpu.memory_space<hbm>>) target_semaphore(%arg21 : memref<!tpu.dma_semaphore, #tpu.memory_space<semaphore_mem>>)
    %dma_wait3A_145 = arith.constant 0 : i32
    %dma_wait3A_146 = tpu.memref_slice %arg8[%add3A_114, %dma_wait3A_145] : memref<8192x128xf32, #tpu.memory_space<hbm>> -> memref<128x128xf32, #tpu.memory_space<hbm>>
    %dma_wait3A_147 = arith.constant 0 : i32
    %dma_wait3A_148 = tpu.memref_slice %arg8[%add3A_114, %dma_wait3A_147] : memref<8192x128xf32, #tpu.memory_space<hbm>> -> memref<128x128xf32, #tpu.memory_space<hbm>>
    tpu.wait_dma2 semaphore(%arg19 : memref<!tpu.dma_semaphore, #tpu.memory_space<semaphore_mem>>) src(%arg13 : memref<128x128xf32, #tpu.memory_space<vmem>>) dst(%dma_wait3A_148 : memref<128x128xf32, #tpu.memory_space<hbm>>)
    %dma_wait3A_149 = arith.constant 0 : i32
    %dma_wait3A_150 = tpu.memref_slice %arg9[%add3A_127, %dma_wait3A_149] : memref<8192x128xf32, #tpu.memory_space<hbm>> -> memref<128x128xf32, #tpu.memory_space<hbm>>
    %dma_wait3A_151 = arith.constant 0 : i32
    %dma_wait3A_152 = tpu.memref_slice %arg9[%add3A_127, %dma_wait3A_151] : memref<8192x128xf32, #tpu.memory_space<hbm>> -> memref<128x128xf32, #tpu.memory_space<hbm>>
    tpu.wait_dma2 semaphore(%arg20 : memref<!tpu.dma_semaphore, #tpu.memory_space<semaphore_mem>>) src(%arg14 : memref<128x128xf32, #tpu.memory_space<vmem>>) dst(%dma_wait3A_152 : memref<128x128xf32, #tpu.memory_space<hbm>>)
    %dma_wait3A_153 = arith.constant 0 : i32
    %dma_wait3A_154 = tpu.memref_slice %arg9[%add3A_140, %dma_wait3A_153] : memref<8192x128xf32, #tpu.memory_space<hbm>> -> memref<128x128xf32, #tpu.memory_space<hbm>>
    %dma_wait3A_155 = arith.constant 0 : i32
    %dma_wait3A_156 = tpu.memref_slice %arg9[%add3A_140, %dma_wait3A_155] : memref<8192x128xf32, #tpu.memory_space<hbm>> -> memref<128x128xf32, #tpu.memory_space<hbm>>
    tpu.wait_dma2 semaphore(%arg21 : memref<!tpu.dma_semaphore, #tpu.memory_space<semaphore_mem>>) src(%arg15 : memref<128x128xf32, #tpu.memory_space<vmem>>) dst(%dma_wait3A_156 : memref<128x128xf32, #tpu.memory_space<hbm>>)
    return
  }
}

module attributes {stable_mosaic.version = 14 : i64} {
  func.func @body(%arg0: i32, %arg1: memref<2048x128xf32, #tpu.memory_space<vmem>>, %arg2: memref<2048x128xf32, #tpu.memory_space<vmem>>, %arg3: memref<2048x128xf32, #tpu.memory_space<vmem>>, %arg4: memref<128x128xf32, #tpu.memory_space<vmem>>, %arg5: memref<1xf32, #tpu.memory_space<smem>>, %arg6: memref<1xf32, #tpu.memory_space<smem>>) attributes {dimension_semantics = [#tpu.dimension_semantics<arbitrary>], iteration_bounds = array<i64: 4>, scalar_prefetch = 0 : i64, scratch_operands = 0 : i64, tpu.core_type = #tpu.core_type<tc>, window_params = [{transform_indices = @transform_0, window_bounds = array<i64: 2048, 128>}, {transform_indices = @transform_1, window_bounds = array<i64: 2048, 128>}, {transform_indices = @transform_2, window_bounds = array<i64: 2048, 128>}, {pipeline_mode = #tpu.pipeline_mode<synchronous>, transform_indices = @transform_3, window_bounds = array<i64: 128, 128>}, {transform_indices = @transform_4, window_bounds = array<i64: 1>}, {transform_indices = @transform_5, window_bounds = array<i64: 1>}]} {
    %get3A = arith.constant 0 : index
    %get3A_0 = arith.constant 0 : index
    %get3A_1 = vector.load %arg1[%get3A, %get3A_0] : memref<2048x128xf32, #tpu.memory_space<vmem>>, vector<2048x128xf32>
    %get3A_2 = arith.constant 0 : index
    %get3A_3 = arith.constant 0 : index
    %get3A_4 = vector.load %arg4[%get3A_2, %get3A_3] : memref<128x128xf32, #tpu.memory_space<vmem>>, vector<128x128xf32>
    %dot_general3A = arith.constant dense<0.000000e+00> : vector<2048x128xf32>
    %dot_general3A_5 = tpu.matmul %get3A_1, %get3A_4, %dot_general3A {dimension_numbers = #tpu.dot_dimension_numbers<[1], [0], [0], [1], [0, 0, 1, 1], [], []>, transpose_lhs_hint = false} : vector<2048x128xf32>, vector<128x128xf32>, vector<2048x128xf32> -> vector<2048x128xf32>
    %get3A_6 = arith.constant 0 : index
    %get3A_7 = memref.load %arg5[%get3A_6] : memref<1xf32, #tpu.memory_space<smem>>
    %iota3A = tpu.iota {dimensions = array<i32: 0>} : vector<128x128xi32>
    %iota3A_8 = tpu.iota {dimensions = array<i32: 1>} : vector<128x128xi32>
    %eq3A = arith.cmpi eq, %iota3A, %iota3A_8 : vector<128x128xi32>
    %convert_element_type3A = arith.extui %eq3A : vector<128x128xi1> to vector<128x128xi32>
    %convert_element_type3A_9 = arith.sitofp %convert_element_type3A : vector<128x128xi32> to vector<128x128xf32>
    %slice3A = vector.extract_strided_slice %dot_general3A_5 {offsets = [0, 0], sizes = [128, 128], strides = [1, 1]} : vector<2048x128xf32> to vector<128x128xf32>
    %get3A_10 = arith.constant 0 : index
    %get3A_11 = arith.constant 0 : index
    %get3A_12 = vector.load %arg2[%get3A_10, %get3A_11] : memref<2048x128xf32, #tpu.memory_space<vmem>>, vector<128x128xf32>
    %get3A_13 = arith.constant 0 : index
    %get3A_14 = arith.constant 0 : index
    %get3A_15 = vector.load %arg3[%get3A_13, %get3A_14] : memref<2048x128xf32, #tpu.memory_space<vmem>>, vector<128x128xf32>
    %dot_general3A_16 = arith.constant dense<0.000000e+00> : vector<128x128xf32>
    %dot_general3A_17 = tpu.matmul %slice3A, %get3A_12, %dot_general3A_16 {dimension_numbers = #tpu.dot_dimension_numbers<[1], [1], [0], [0], [0, 0, 1, 0], [], []>, transpose_lhs_hint = false} : vector<128x128xf32>, vector<128x128xf32>, vector<128x128xf32> -> vector<128x128xf32>
    %dot_general3A_18 = arith.constant dense<0.000000e+00> : vector<128x128xf32>
    %dot_general3A_19 = tpu.matmul %slice3A, %get3A_15, %dot_general3A_18 {dimension_numbers = #tpu.dot_dimension_numbers<[1], [1], [0], [0], [0, 0, 1, 0], [], []>, transpose_lhs_hint = false} : vector<128x128xf32>, vector<128x128xf32>, vector<128x128xf32> -> vector<128x128xf32>
    %mul3A = arith.mulf %dot_general3A_17, %convert_element_type3A_9 : vector<128x128xf32>
    %reduce_sum3A = arith.constant dense<0.000000e+00> : vector<128xf32>
    %reduce_sum3A_20 = vector.multi_reduction <add>, %mul3A, %reduce_sum3A [0] : vector<128x128xf32> to vector<128xf32>
    %broadcast_in_dim3A = vector.shape_cast %reduce_sum3A_20 : vector<128xf32> to vector<1x128xf32>
    %mul3A_21 = arith.mulf %dot_general3A_19, %convert_element_type3A_9 : vector<128x128xf32>
    %reduce_sum3A_22 = arith.constant dense<0.000000e+00> : vector<128xf32>
    %reduce_sum3A_23 = vector.multi_reduction <add>, %mul3A_21, %reduce_sum3A_22 [0] : vector<128x128xf32> to vector<128xf32>
    %broadcast_in_dim3A_24 = vector.shape_cast %reduce_sum3A_23 : vector<128xf32> to vector<1x128xf32>
    %slice3A_25 = vector.extract_strided_slice %dot_general3A_5 {offsets = [128, 0], sizes = [128, 128], strides = [1, 1]} : vector<2048x128xf32> to vector<128x128xf32>
    %get3A_26 = arith.constant 128 : index
    %get3A_27 = arith.constant 0 : index
    %get3A_28 = vector.load %arg2[%get3A_26, %get3A_27] : memref<2048x128xf32, #tpu.memory_space<vmem>>, vector<128x128xf32>
    %get3A_29 = arith.constant 128 : index
    %get3A_30 = arith.constant 0 : index
    %get3A_31 = vector.load %arg3[%get3A_29, %get3A_30] : memref<2048x128xf32, #tpu.memory_space<vmem>>, vector<128x128xf32>
    %dot_general3A_32 = arith.constant dense<0.000000e+00> : vector<128x128xf32>
    %dot_general3A_33 = tpu.matmul %slice3A_25, %get3A_28, %dot_general3A_32 {dimension_numbers = #tpu.dot_dimension_numbers<[1], [1], [0], [0], [0, 0, 1, 0], [], []>, transpose_lhs_hint = false} : vector<128x128xf32>, vector<128x128xf32>, vector<128x128xf32> -> vector<128x128xf32>
    %dot_general3A_34 = arith.constant dense<0.000000e+00> : vector<128x128xf32>
    %dot_general3A_35 = tpu.matmul %slice3A_25, %get3A_31, %dot_general3A_34 {dimension_numbers = #tpu.dot_dimension_numbers<[1], [1], [0], [0], [0, 0, 1, 0], [], []>, transpose_lhs_hint = false} : vector<128x128xf32>, vector<128x128xf32>, vector<128x128xf32> -> vector<128x128xf32>
    %mul3A_36 = arith.mulf %dot_general3A_33, %convert_element_type3A_9 : vector<128x128xf32>
    %reduce_sum3A_37 = arith.constant dense<0.000000e+00> : vector<128xf32>
    %reduce_sum3A_38 = vector.multi_reduction <add>, %mul3A_36, %reduce_sum3A_37 [0] : vector<128x128xf32> to vector<128xf32>
    %broadcast_in_dim3A_39 = vector.shape_cast %reduce_sum3A_38 : vector<128xf32> to vector<1x128xf32>
    %mul3A_40 = arith.mulf %dot_general3A_35, %convert_element_type3A_9 : vector<128x128xf32>
    %reduce_sum3A_41 = arith.constant dense<0.000000e+00> : vector<128xf32>
    %reduce_sum3A_42 = vector.multi_reduction <add>, %mul3A_40, %reduce_sum3A_41 [0] : vector<128x128xf32> to vector<128xf32>
    %broadcast_in_dim3A_43 = vector.shape_cast %reduce_sum3A_42 : vector<128xf32> to vector<1x128xf32>
    %slice3A_44 = vector.extract_strided_slice %dot_general3A_5 {offsets = [256, 0], sizes = [128, 128], strides = [1, 1]} : vector<2048x128xf32> to vector<128x128xf32>
    %get3A_45 = arith.constant 256 : index
    %get3A_46 = arith.constant 0 : index
    %get3A_47 = vector.load %arg2[%get3A_45, %get3A_46] : memref<2048x128xf32, #tpu.memory_space<vmem>>, vector<128x128xf32>
    %get3A_48 = arith.constant 256 : index
    %get3A_49 = arith.constant 0 : index
    %get3A_50 = vector.load %arg3[%get3A_48, %get3A_49] : memref<2048x128xf32, #tpu.memory_space<vmem>>, vector<128x128xf32>
    %dot_general3A_51 = arith.constant dense<0.000000e+00> : vector<128x128xf32>
    %dot_general3A_52 = tpu.matmul %slice3A_44, %get3A_47, %dot_general3A_51 {dimension_numbers = #tpu.dot_dimension_numbers<[1], [1], [0], [0], [0, 0, 1, 0], [], []>, transpose_lhs_hint = false} : vector<128x128xf32>, vector<128x128xf32>, vector<128x128xf32> -> vector<128x128xf32>
    %dot_general3A_53 = arith.constant dense<0.000000e+00> : vector<128x128xf32>
    %dot_general3A_54 = tpu.matmul %slice3A_44, %get3A_50, %dot_general3A_53 {dimension_numbers = #tpu.dot_dimension_numbers<[1], [1], [0], [0], [0, 0, 1, 0], [], []>, transpose_lhs_hint = false} : vector<128x128xf32>, vector<128x128xf32>, vector<128x128xf32> -> vector<128x128xf32>
    %mul3A_55 = arith.mulf %dot_general3A_52, %convert_element_type3A_9 : vector<128x128xf32>
    %reduce_sum3A_56 = arith.constant dense<0.000000e+00> : vector<128xf32>
    %reduce_sum3A_57 = vector.multi_reduction <add>, %mul3A_55, %reduce_sum3A_56 [0] : vector<128x128xf32> to vector<128xf32>
    %broadcast_in_dim3A_58 = vector.shape_cast %reduce_sum3A_57 : vector<128xf32> to vector<1x128xf32>
    %mul3A_59 = arith.mulf %dot_general3A_54, %convert_element_type3A_9 : vector<128x128xf32>
    %reduce_sum3A_60 = arith.constant dense<0.000000e+00> : vector<128xf32>
    %reduce_sum3A_61 = vector.multi_reduction <add>, %mul3A_59, %reduce_sum3A_60 [0] : vector<128x128xf32> to vector<128xf32>
    %broadcast_in_dim3A_62 = vector.shape_cast %reduce_sum3A_61 : vector<128xf32> to vector<1x128xf32>
    %slice3A_63 = vector.extract_strided_slice %dot_general3A_5 {offsets = [384, 0], sizes = [128, 128], strides = [1, 1]} : vector<2048x128xf32> to vector<128x128xf32>
    %get3A_64 = arith.constant 384 : index
    %get3A_65 = arith.constant 0 : index
    %get3A_66 = vector.load %arg2[%get3A_64, %get3A_65] : memref<2048x128xf32, #tpu.memory_space<vmem>>, vector<128x128xf32>
    %get3A_67 = arith.constant 384 : index
    %get3A_68 = arith.constant 0 : index
    %get3A_69 = vector.load %arg3[%get3A_67, %get3A_68] : memref<2048x128xf32, #tpu.memory_space<vmem>>, vector<128x128xf32>
    %dot_general3A_70 = arith.constant dense<0.000000e+00> : vector<128x128xf32>
    %dot_general3A_71 = tpu.matmul %slice3A_63, %get3A_66, %dot_general3A_70 {dimension_numbers = #tpu.dot_dimension_numbers<[1], [1], [0], [0], [0, 0, 1, 0], [], []>, transpose_lhs_hint = false} : vector<128x128xf32>, vector<128x128xf32>, vector<128x128xf32> -> vector<128x128xf32>
    %dot_general3A_72 = arith.constant dense<0.000000e+00> : vector<128x128xf32>
    %dot_general3A_73 = tpu.matmul %slice3A_63, %get3A_69, %dot_general3A_72 {dimension_numbers = #tpu.dot_dimension_numbers<[1], [1], [0], [0], [0, 0, 1, 0], [], []>, transpose_lhs_hint = false} : vector<128x128xf32>, vector<128x128xf32>, vector<128x128xf32> -> vector<128x128xf32>
    %mul3A_74 = arith.mulf %dot_general3A_71, %convert_element_type3A_9 : vector<128x128xf32>
    %reduce_sum3A_75 = arith.constant dense<0.000000e+00> : vector<128xf32>
    %reduce_sum3A_76 = vector.multi_reduction <add>, %mul3A_74, %reduce_sum3A_75 [0] : vector<128x128xf32> to vector<128xf32>
    %broadcast_in_dim3A_77 = vector.shape_cast %reduce_sum3A_76 : vector<128xf32> to vector<1x128xf32>
    %mul3A_78 = arith.mulf %dot_general3A_73, %convert_element_type3A_9 : vector<128x128xf32>
    %reduce_sum3A_79 = arith.constant dense<0.000000e+00> : vector<128xf32>
    %reduce_sum3A_80 = vector.multi_reduction <add>, %mul3A_78, %reduce_sum3A_79 [0] : vector<128x128xf32> to vector<128xf32>
    %broadcast_in_dim3A_81 = vector.shape_cast %reduce_sum3A_80 : vector<128xf32> to vector<1x128xf32>
    %slice3A_82 = vector.extract_strided_slice %dot_general3A_5 {offsets = [512, 0], sizes = [128, 128], strides = [1, 1]} : vector<2048x128xf32> to vector<128x128xf32>
    %get3A_83 = arith.constant 512 : index
    %get3A_84 = arith.constant 0 : index
    %get3A_85 = vector.load %arg2[%get3A_83, %get3A_84] : memref<2048x128xf32, #tpu.memory_space<vmem>>, vector<128x128xf32>
    %get3A_86 = arith.constant 512 : index
    %get3A_87 = arith.constant 0 : index
    %get3A_88 = vector.load %arg3[%get3A_86, %get3A_87] : memref<2048x128xf32, #tpu.memory_space<vmem>>, vector<128x128xf32>
    %dot_general3A_89 = arith.constant dense<0.000000e+00> : vector<128x128xf32>
    %dot_general3A_90 = tpu.matmul %slice3A_82, %get3A_85, %dot_general3A_89 {dimension_numbers = #tpu.dot_dimension_numbers<[1], [1], [0], [0], [0, 0, 1, 0], [], []>, transpose_lhs_hint = false} : vector<128x128xf32>, vector<128x128xf32>, vector<128x128xf32> -> vector<128x128xf32>
    %dot_general3A_91 = arith.constant dense<0.000000e+00> : vector<128x128xf32>
    %dot_general3A_92 = tpu.matmul %slice3A_82, %get3A_88, %dot_general3A_91 {dimension_numbers = #tpu.dot_dimension_numbers<[1], [1], [0], [0], [0, 0, 1, 0], [], []>, transpose_lhs_hint = false} : vector<128x128xf32>, vector<128x128xf32>, vector<128x128xf32> -> vector<128x128xf32>
    %mul3A_93 = arith.mulf %dot_general3A_90, %convert_element_type3A_9 : vector<128x128xf32>
    %reduce_sum3A_94 = arith.constant dense<0.000000e+00> : vector<128xf32>
    %reduce_sum3A_95 = vector.multi_reduction <add>, %mul3A_93, %reduce_sum3A_94 [0] : vector<128x128xf32> to vector<128xf32>
    %broadcast_in_dim3A_96 = vector.shape_cast %reduce_sum3A_95 : vector<128xf32> to vector<1x128xf32>
    %mul3A_97 = arith.mulf %dot_general3A_92, %convert_element_type3A_9 : vector<128x128xf32>
    %reduce_sum3A_98 = arith.constant dense<0.000000e+00> : vector<128xf32>
    %reduce_sum3A_99 = vector.multi_reduction <add>, %mul3A_97, %reduce_sum3A_98 [0] : vector<128x128xf32> to vector<128xf32>
    %broadcast_in_dim3A_100 = vector.shape_cast %reduce_sum3A_99 : vector<128xf32> to vector<1x128xf32>
    %slice3A_101 = vector.extract_strided_slice %dot_general3A_5 {offsets = [640, 0], sizes = [128, 128], strides = [1, 1]} : vector<2048x128xf32> to vector<128x128xf32>
    %get3A_102 = arith.constant 640 : index
    %get3A_103 = arith.constant 0 : index
    %get3A_104 = vector.load %arg2[%get3A_102, %get3A_103] : memref<2048x128xf32, #tpu.memory_space<vmem>>, vector<128x128xf32>
    %get3A_105 = arith.constant 640 : index
    %get3A_106 = arith.constant 0 : index
    %get3A_107 = vector.load %arg3[%get3A_105, %get3A_106] : memref<2048x128xf32, #tpu.memory_space<vmem>>, vector<128x128xf32>
    %dot_general3A_108 = arith.constant dense<0.000000e+00> : vector<128x128xf32>
    %dot_general3A_109 = tpu.matmul %slice3A_101, %get3A_104, %dot_general3A_108 {dimension_numbers = #tpu.dot_dimension_numbers<[1], [1], [0], [0], [0, 0, 1, 0], [], []>, transpose_lhs_hint = false} : vector<128x128xf32>, vector<128x128xf32>, vector<128x128xf32> -> vector<128x128xf32>
    %dot_general3A_110 = arith.constant dense<0.000000e+00> : vector<128x128xf32>
    %dot_general3A_111 = tpu.matmul %slice3A_101, %get3A_107, %dot_general3A_110 {dimension_numbers = #tpu.dot_dimension_numbers<[1], [1], [0], [0], [0, 0, 1, 0], [], []>, transpose_lhs_hint = false} : vector<128x128xf32>, vector<128x128xf32>, vector<128x128xf32> -> vector<128x128xf32>
    %mul3A_112 = arith.mulf %dot_general3A_109, %convert_element_type3A_9 : vector<128x128xf32>
    %reduce_sum3A_113 = arith.constant dense<0.000000e+00> : vector<128xf32>
    %reduce_sum3A_114 = vector.multi_reduction <add>, %mul3A_112, %reduce_sum3A_113 [0] : vector<128x128xf32> to vector<128xf32>
    %broadcast_in_dim3A_115 = vector.shape_cast %reduce_sum3A_114 : vector<128xf32> to vector<1x128xf32>
    %mul3A_116 = arith.mulf %dot_general3A_111, %convert_element_type3A_9 : vector<128x128xf32>
    %reduce_sum3A_117 = arith.constant dense<0.000000e+00> : vector<128xf32>
    %reduce_sum3A_118 = vector.multi_reduction <add>, %mul3A_116, %reduce_sum3A_117 [0] : vector<128x128xf32> to vector<128xf32>
    %broadcast_in_dim3A_119 = vector.shape_cast %reduce_sum3A_118 : vector<128xf32> to vector<1x128xf32>
    %slice3A_120 = vector.extract_strided_slice %dot_general3A_5 {offsets = [768, 0], sizes = [128, 128], strides = [1, 1]} : vector<2048x128xf32> to vector<128x128xf32>
    %get3A_121 = arith.constant 768 : index
    %get3A_122 = arith.constant 0 : index
    %get3A_123 = vector.load %arg2[%get3A_121, %get3A_122] : memref<2048x128xf32, #tpu.memory_space<vmem>>, vector<128x128xf32>
    %get3A_124 = arith.constant 768 : index
    %get3A_125 = arith.constant 0 : index
    %get3A_126 = vector.load %arg3[%get3A_124, %get3A_125] : memref<2048x128xf32, #tpu.memory_space<vmem>>, vector<128x128xf32>
    %dot_general3A_127 = arith.constant dense<0.000000e+00> : vector<128x128xf32>
    %dot_general3A_128 = tpu.matmul %slice3A_120, %get3A_123, %dot_general3A_127 {dimension_numbers = #tpu.dot_dimension_numbers<[1], [1], [0], [0], [0, 0, 1, 0], [], []>, transpose_lhs_hint = false} : vector<128x128xf32>, vector<128x128xf32>, vector<128x128xf32> -> vector<128x128xf32>
    %dot_general3A_129 = arith.constant dense<0.000000e+00> : vector<128x128xf32>
    %dot_general3A_130 = tpu.matmul %slice3A_120, %get3A_126, %dot_general3A_129 {dimension_numbers = #tpu.dot_dimension_numbers<[1], [1], [0], [0], [0, 0, 1, 0], [], []>, transpose_lhs_hint = false} : vector<128x128xf32>, vector<128x128xf32>, vector<128x128xf32> -> vector<128x128xf32>
    %mul3A_131 = arith.mulf %dot_general3A_128, %convert_element_type3A_9 : vector<128x128xf32>
    %reduce_sum3A_132 = arith.constant dense<0.000000e+00> : vector<128xf32>
    %reduce_sum3A_133 = vector.multi_reduction <add>, %mul3A_131, %reduce_sum3A_132 [0] : vector<128x128xf32> to vector<128xf32>
    %broadcast_in_dim3A_134 = vector.shape_cast %reduce_sum3A_133 : vector<128xf32> to vector<1x128xf32>
    %mul3A_135 = arith.mulf %dot_general3A_130, %convert_element_type3A_9 : vector<128x128xf32>
    %reduce_sum3A_136 = arith.constant dense<0.000000e+00> : vector<128xf32>
    %reduce_sum3A_137 = vector.multi_reduction <add>, %mul3A_135, %reduce_sum3A_136 [0] : vector<128x128xf32> to vector<128xf32>
    %broadcast_in_dim3A_138 = vector.shape_cast %reduce_sum3A_137 : vector<128xf32> to vector<1x128xf32>
    %slice3A_139 = vector.extract_strided_slice %dot_general3A_5 {offsets = [896, 0], sizes = [128, 128], strides = [1, 1]} : vector<2048x128xf32> to vector<128x128xf32>
    %get3A_140 = arith.constant 896 : index
    %get3A_141 = arith.constant 0 : index
    %get3A_142 = vector.load %arg2[%get3A_140, %get3A_141] : memref<2048x128xf32, #tpu.memory_space<vmem>>, vector<128x128xf32>
    %get3A_143 = arith.constant 896 : index
    %get3A_144 = arith.constant 0 : index
    %get3A_145 = vector.load %arg3[%get3A_143, %get3A_144] : memref<2048x128xf32, #tpu.memory_space<vmem>>, vector<128x128xf32>
    %dot_general3A_146 = arith.constant dense<0.000000e+00> : vector<128x128xf32>
    %dot_general3A_147 = tpu.matmul %slice3A_139, %get3A_142, %dot_general3A_146 {dimension_numbers = #tpu.dot_dimension_numbers<[1], [1], [0], [0], [0, 0, 1, 0], [], []>, transpose_lhs_hint = false} : vector<128x128xf32>, vector<128x128xf32>, vector<128x128xf32> -> vector<128x128xf32>
    %dot_general3A_148 = arith.constant dense<0.000000e+00> : vector<128x128xf32>
    %dot_general3A_149 = tpu.matmul %slice3A_139, %get3A_145, %dot_general3A_148 {dimension_numbers = #tpu.dot_dimension_numbers<[1], [1], [0], [0], [0, 0, 1, 0], [], []>, transpose_lhs_hint = false} : vector<128x128xf32>, vector<128x128xf32>, vector<128x128xf32> -> vector<128x128xf32>
    %mul3A_150 = arith.mulf %dot_general3A_147, %convert_element_type3A_9 : vector<128x128xf32>
    %reduce_sum3A_151 = arith.constant dense<0.000000e+00> : vector<128xf32>
    %reduce_sum3A_152 = vector.multi_reduction <add>, %mul3A_150, %reduce_sum3A_151 [0] : vector<128x128xf32> to vector<128xf32>
    %broadcast_in_dim3A_153 = vector.shape_cast %reduce_sum3A_152 : vector<128xf32> to vector<1x128xf32>
    %mul3A_154 = arith.mulf %dot_general3A_149, %convert_element_type3A_9 : vector<128x128xf32>
    %reduce_sum3A_155 = arith.constant dense<0.000000e+00> : vector<128xf32>
    %reduce_sum3A_156 = vector.multi_reduction <add>, %mul3A_154, %reduce_sum3A_155 [0] : vector<128x128xf32> to vector<128xf32>
    %broadcast_in_dim3A_157 = vector.shape_cast %reduce_sum3A_156 : vector<128xf32> to vector<1x128xf32>
    %slice3A_158 = vector.extract_strided_slice %dot_general3A_5 {offsets = [1024, 0], sizes = [128, 128], strides = [1, 1]} : vector<2048x128xf32> to vector<128x128xf32>
    %get3A_159 = arith.constant 1024 : index
    %get3A_160 = arith.constant 0 : index
    %get3A_161 = vector.load %arg2[%get3A_159, %get3A_160] : memref<2048x128xf32, #tpu.memory_space<vmem>>, vector<128x128xf32>
    %get3A_162 = arith.constant 1024 : index
    %get3A_163 = arith.constant 0 : index
    %get3A_164 = vector.load %arg3[%get3A_162, %get3A_163] : memref<2048x128xf32, #tpu.memory_space<vmem>>, vector<128x128xf32>
    %dot_general3A_165 = arith.constant dense<0.000000e+00> : vector<128x128xf32>
    %dot_general3A_166 = tpu.matmul %slice3A_158, %get3A_161, %dot_general3A_165 {dimension_numbers = #tpu.dot_dimension_numbers<[1], [1], [0], [0], [0, 0, 1, 0], [], []>, transpose_lhs_hint = false} : vector<128x128xf32>, vector<128x128xf32>, vector<128x128xf32> -> vector<128x128xf32>
    %dot_general3A_167 = arith.constant dense<0.000000e+00> : vector<128x128xf32>
    %dot_general3A_168 = tpu.matmul %slice3A_158, %get3A_164, %dot_general3A_167 {dimension_numbers = #tpu.dot_dimension_numbers<[1], [1], [0], [0], [0, 0, 1, 0], [], []>, transpose_lhs_hint = false} : vector<128x128xf32>, vector<128x128xf32>, vector<128x128xf32> -> vector<128x128xf32>
    %mul3A_169 = arith.mulf %dot_general3A_166, %convert_element_type3A_9 : vector<128x128xf32>
    %reduce_sum3A_170 = arith.constant dense<0.000000e+00> : vector<128xf32>
    %reduce_sum3A_171 = vector.multi_reduction <add>, %mul3A_169, %reduce_sum3A_170 [0] : vector<128x128xf32> to vector<128xf32>
    %broadcast_in_dim3A_172 = vector.shape_cast %reduce_sum3A_171 : vector<128xf32> to vector<1x128xf32>
    %mul3A_173 = arith.mulf %dot_general3A_168, %convert_element_type3A_9 : vector<128x128xf32>
    %reduce_sum3A_174 = arith.constant dense<0.000000e+00> : vector<128xf32>
    %reduce_sum3A_175 = vector.multi_reduction <add>, %mul3A_173, %reduce_sum3A_174 [0] : vector<128x128xf32> to vector<128xf32>
    %broadcast_in_dim3A_176 = vector.shape_cast %reduce_sum3A_175 : vector<128xf32> to vector<1x128xf32>
    %slice3A_177 = vector.extract_strided_slice %dot_general3A_5 {offsets = [1152, 0], sizes = [128, 128], strides = [1, 1]} : vector<2048x128xf32> to vector<128x128xf32>
    %get3A_178 = arith.constant 1152 : index
    %get3A_179 = arith.constant 0 : index
    %get3A_180 = vector.load %arg2[%get3A_178, %get3A_179] : memref<2048x128xf32, #tpu.memory_space<vmem>>, vector<128x128xf32>
    %get3A_181 = arith.constant 1152 : index
    %get3A_182 = arith.constant 0 : index
    %get3A_183 = vector.load %arg3[%get3A_181, %get3A_182] : memref<2048x128xf32, #tpu.memory_space<vmem>>, vector<128x128xf32>
    %dot_general3A_184 = arith.constant dense<0.000000e+00> : vector<128x128xf32>
    %dot_general3A_185 = tpu.matmul %slice3A_177, %get3A_180, %dot_general3A_184 {dimension_numbers = #tpu.dot_dimension_numbers<[1], [1], [0], [0], [0, 0, 1, 0], [], []>, transpose_lhs_hint = false} : vector<128x128xf32>, vector<128x128xf32>, vector<128x128xf32> -> vector<128x128xf32>
    %dot_general3A_186 = arith.constant dense<0.000000e+00> : vector<128x128xf32>
    %dot_general3A_187 = tpu.matmul %slice3A_177, %get3A_183, %dot_general3A_186 {dimension_numbers = #tpu.dot_dimension_numbers<[1], [1], [0], [0], [0, 0, 1, 0], [], []>, transpose_lhs_hint = false} : vector<128x128xf32>, vector<128x128xf32>, vector<128x128xf32> -> vector<128x128xf32>
    %mul3A_188 = arith.mulf %dot_general3A_185, %convert_element_type3A_9 : vector<128x128xf32>
    %reduce_sum3A_189 = arith.constant dense<0.000000e+00> : vector<128xf32>
    %reduce_sum3A_190 = vector.multi_reduction <add>, %mul3A_188, %reduce_sum3A_189 [0] : vector<128x128xf32> to vector<128xf32>
    %broadcast_in_dim3A_191 = vector.shape_cast %reduce_sum3A_190 : vector<128xf32> to vector<1x128xf32>
    %mul3A_192 = arith.mulf %dot_general3A_187, %convert_element_type3A_9 : vector<128x128xf32>
    %reduce_sum3A_193 = arith.constant dense<0.000000e+00> : vector<128xf32>
    %reduce_sum3A_194 = vector.multi_reduction <add>, %mul3A_192, %reduce_sum3A_193 [0] : vector<128x128xf32> to vector<128xf32>
    %broadcast_in_dim3A_195 = vector.shape_cast %reduce_sum3A_194 : vector<128xf32> to vector<1x128xf32>
    %slice3A_196 = vector.extract_strided_slice %dot_general3A_5 {offsets = [1280, 0], sizes = [128, 128], strides = [1, 1]} : vector<2048x128xf32> to vector<128x128xf32>
    %get3A_197 = arith.constant 1280 : index
    %get3A_198 = arith.constant 0 : index
    %get3A_199 = vector.load %arg2[%get3A_197, %get3A_198] : memref<2048x128xf32, #tpu.memory_space<vmem>>, vector<128x128xf32>
    %get3A_200 = arith.constant 1280 : index
    %get3A_201 = arith.constant 0 : index
    %get3A_202 = vector.load %arg3[%get3A_200, %get3A_201] : memref<2048x128xf32, #tpu.memory_space<vmem>>, vector<128x128xf32>
    %dot_general3A_203 = arith.constant dense<0.000000e+00> : vector<128x128xf32>
    %dot_general3A_204 = tpu.matmul %slice3A_196, %get3A_199, %dot_general3A_203 {dimension_numbers = #tpu.dot_dimension_numbers<[1], [1], [0], [0], [0, 0, 1, 0], [], []>, transpose_lhs_hint = false} : vector<128x128xf32>, vector<128x128xf32>, vector<128x128xf32> -> vector<128x128xf32>
    %dot_general3A_205 = arith.constant dense<0.000000e+00> : vector<128x128xf32>
    %dot_general3A_206 = tpu.matmul %slice3A_196, %get3A_202, %dot_general3A_205 {dimension_numbers = #tpu.dot_dimension_numbers<[1], [1], [0], [0], [0, 0, 1, 0], [], []>, transpose_lhs_hint = false} : vector<128x128xf32>, vector<128x128xf32>, vector<128x128xf32> -> vector<128x128xf32>
    %mul3A_207 = arith.mulf %dot_general3A_204, %convert_element_type3A_9 : vector<128x128xf32>
    %reduce_sum3A_208 = arith.constant dense<0.000000e+00> : vector<128xf32>
    %reduce_sum3A_209 = vector.multi_reduction <add>, %mul3A_207, %reduce_sum3A_208 [0] : vector<128x128xf32> to vector<128xf32>
    %broadcast_in_dim3A_210 = vector.shape_cast %reduce_sum3A_209 : vector<128xf32> to vector<1x128xf32>
    %mul3A_211 = arith.mulf %dot_general3A_206, %convert_element_type3A_9 : vector<128x128xf32>
    %reduce_sum3A_212 = arith.constant dense<0.000000e+00> : vector<128xf32>
    %reduce_sum3A_213 = vector.multi_reduction <add>, %mul3A_211, %reduce_sum3A_212 [0] : vector<128x128xf32> to vector<128xf32>
    %broadcast_in_dim3A_214 = vector.shape_cast %reduce_sum3A_213 : vector<128xf32> to vector<1x128xf32>
    %slice3A_215 = vector.extract_strided_slice %dot_general3A_5 {offsets = [1408, 0], sizes = [128, 128], strides = [1, 1]} : vector<2048x128xf32> to vector<128x128xf32>
    %get3A_216 = arith.constant 1408 : index
    %get3A_217 = arith.constant 0 : index
    %get3A_218 = vector.load %arg2[%get3A_216, %get3A_217] : memref<2048x128xf32, #tpu.memory_space<vmem>>, vector<128x128xf32>
    %get3A_219 = arith.constant 1408 : index
    %get3A_220 = arith.constant 0 : index
    %get3A_221 = vector.load %arg3[%get3A_219, %get3A_220] : memref<2048x128xf32, #tpu.memory_space<vmem>>, vector<128x128xf32>
    %dot_general3A_222 = arith.constant dense<0.000000e+00> : vector<128x128xf32>
    %dot_general3A_223 = tpu.matmul %slice3A_215, %get3A_218, %dot_general3A_222 {dimension_numbers = #tpu.dot_dimension_numbers<[1], [1], [0], [0], [0, 0, 1, 0], [], []>, transpose_lhs_hint = false} : vector<128x128xf32>, vector<128x128xf32>, vector<128x128xf32> -> vector<128x128xf32>
    %dot_general3A_224 = arith.constant dense<0.000000e+00> : vector<128x128xf32>
    %dot_general3A_225 = tpu.matmul %slice3A_215, %get3A_221, %dot_general3A_224 {dimension_numbers = #tpu.dot_dimension_numbers<[1], [1], [0], [0], [0, 0, 1, 0], [], []>, transpose_lhs_hint = false} : vector<128x128xf32>, vector<128x128xf32>, vector<128x128xf32> -> vector<128x128xf32>
    %mul3A_226 = arith.mulf %dot_general3A_223, %convert_element_type3A_9 : vector<128x128xf32>
    %reduce_sum3A_227 = arith.constant dense<0.000000e+00> : vector<128xf32>
    %reduce_sum3A_228 = vector.multi_reduction <add>, %mul3A_226, %reduce_sum3A_227 [0] : vector<128x128xf32> to vector<128xf32>
    %broadcast_in_dim3A_229 = vector.shape_cast %reduce_sum3A_228 : vector<128xf32> to vector<1x128xf32>
    %mul3A_230 = arith.mulf %dot_general3A_225, %convert_element_type3A_9 : vector<128x128xf32>
    %reduce_sum3A_231 = arith.constant dense<0.000000e+00> : vector<128xf32>
    %reduce_sum3A_232 = vector.multi_reduction <add>, %mul3A_230, %reduce_sum3A_231 [0] : vector<128x128xf32> to vector<128xf32>
    %broadcast_in_dim3A_233 = vector.shape_cast %reduce_sum3A_232 : vector<128xf32> to vector<1x128xf32>
    %slice3A_234 = vector.extract_strided_slice %dot_general3A_5 {offsets = [1536, 0], sizes = [128, 128], strides = [1, 1]} : vector<2048x128xf32> to vector<128x128xf32>
    %get3A_235 = arith.constant 1536 : index
    %get3A_236 = arith.constant 0 : index
    %get3A_237 = vector.load %arg2[%get3A_235, %get3A_236] : memref<2048x128xf32, #tpu.memory_space<vmem>>, vector<128x128xf32>
    %get3A_238 = arith.constant 1536 : index
    %get3A_239 = arith.constant 0 : index
    %get3A_240 = vector.load %arg3[%get3A_238, %get3A_239] : memref<2048x128xf32, #tpu.memory_space<vmem>>, vector<128x128xf32>
    %dot_general3A_241 = arith.constant dense<0.000000e+00> : vector<128x128xf32>
    %dot_general3A_242 = tpu.matmul %slice3A_234, %get3A_237, %dot_general3A_241 {dimension_numbers = #tpu.dot_dimension_numbers<[1], [1], [0], [0], [0, 0, 1, 0], [], []>, transpose_lhs_hint = false} : vector<128x128xf32>, vector<128x128xf32>, vector<128x128xf32> -> vector<128x128xf32>
    %dot_general3A_243 = arith.constant dense<0.000000e+00> : vector<128x128xf32>
    %dot_general3A_244 = tpu.matmul %slice3A_234, %get3A_240, %dot_general3A_243 {dimension_numbers = #tpu.dot_dimension_numbers<[1], [1], [0], [0], [0, 0, 1, 0], [], []>, transpose_lhs_hint = false} : vector<128x128xf32>, vector<128x128xf32>, vector<128x128xf32> -> vector<128x128xf32>
    %mul3A_245 = arith.mulf %dot_general3A_242, %convert_element_type3A_9 : vector<128x128xf32>
    %reduce_sum3A_246 = arith.constant dense<0.000000e+00> : vector<128xf32>
    %reduce_sum3A_247 = vector.multi_reduction <add>, %mul3A_245, %reduce_sum3A_246 [0] : vector<128x128xf32> to vector<128xf32>
    %broadcast_in_dim3A_248 = vector.shape_cast %reduce_sum3A_247 : vector<128xf32> to vector<1x128xf32>
    %mul3A_249 = arith.mulf %dot_general3A_244, %convert_element_type3A_9 : vector<128x128xf32>
    %reduce_sum3A_250 = arith.constant dense<0.000000e+00> : vector<128xf32>
    %reduce_sum3A_251 = vector.multi_reduction <add>, %mul3A_249, %reduce_sum3A_250 [0] : vector<128x128xf32> to vector<128xf32>
    %broadcast_in_dim3A_252 = vector.shape_cast %reduce_sum3A_251 : vector<128xf32> to vector<1x128xf32>
    %slice3A_253 = vector.extract_strided_slice %dot_general3A_5 {offsets = [1664, 0], sizes = [128, 128], strides = [1, 1]} : vector<2048x128xf32> to vector<128x128xf32>
    %get3A_254 = arith.constant 1664 : index
    %get3A_255 = arith.constant 0 : index
    %get3A_256 = vector.load %arg2[%get3A_254, %get3A_255] : memref<2048x128xf32, #tpu.memory_space<vmem>>, vector<128x128xf32>
    %get3A_257 = arith.constant 1664 : index
    %get3A_258 = arith.constant 0 : index
    %get3A_259 = vector.load %arg3[%get3A_257, %get3A_258] : memref<2048x128xf32, #tpu.memory_space<vmem>>, vector<128x128xf32>
    %dot_general3A_260 = arith.constant dense<0.000000e+00> : vector<128x128xf32>
    %dot_general3A_261 = tpu.matmul %slice3A_253, %get3A_256, %dot_general3A_260 {dimension_numbers = #tpu.dot_dimension_numbers<[1], [1], [0], [0], [0, 0, 1, 0], [], []>, transpose_lhs_hint = false} : vector<128x128xf32>, vector<128x128xf32>, vector<128x128xf32> -> vector<128x128xf32>
    %dot_general3A_262 = arith.constant dense<0.000000e+00> : vector<128x128xf32>
    %dot_general3A_263 = tpu.matmul %slice3A_253, %get3A_259, %dot_general3A_262 {dimension_numbers = #tpu.dot_dimension_numbers<[1], [1], [0], [0], [0, 0, 1, 0], [], []>, transpose_lhs_hint = false} : vector<128x128xf32>, vector<128x128xf32>, vector<128x128xf32> -> vector<128x128xf32>
    %mul3A_264 = arith.mulf %dot_general3A_261, %convert_element_type3A_9 : vector<128x128xf32>
    %reduce_sum3A_265 = arith.constant dense<0.000000e+00> : vector<128xf32>
    %reduce_sum3A_266 = vector.multi_reduction <add>, %mul3A_264, %reduce_sum3A_265 [0] : vector<128x128xf32> to vector<128xf32>
    %broadcast_in_dim3A_267 = vector.shape_cast %reduce_sum3A_266 : vector<128xf32> to vector<1x128xf32>
    %mul3A_268 = arith.mulf %dot_general3A_263, %convert_element_type3A_9 : vector<128x128xf32>
    %reduce_sum3A_269 = arith.constant dense<0.000000e+00> : vector<128xf32>
    %reduce_sum3A_270 = vector.multi_reduction <add>, %mul3A_268, %reduce_sum3A_269 [0] : vector<128x128xf32> to vector<128xf32>
    %broadcast_in_dim3A_271 = vector.shape_cast %reduce_sum3A_270 : vector<128xf32> to vector<1x128xf32>
    %slice3A_272 = vector.extract_strided_slice %dot_general3A_5 {offsets = [1792, 0], sizes = [128, 128], strides = [1, 1]} : vector<2048x128xf32> to vector<128x128xf32>
    %get3A_273 = arith.constant 1792 : index
    %get3A_274 = arith.constant 0 : index
    %get3A_275 = vector.load %arg2[%get3A_273, %get3A_274] : memref<2048x128xf32, #tpu.memory_space<vmem>>, vector<128x128xf32>
    %get3A_276 = arith.constant 1792 : index
    %get3A_277 = arith.constant 0 : index
    %get3A_278 = vector.load %arg3[%get3A_276, %get3A_277] : memref<2048x128xf32, #tpu.memory_space<vmem>>, vector<128x128xf32>
    %dot_general3A_279 = arith.constant dense<0.000000e+00> : vector<128x128xf32>
    %dot_general3A_280 = tpu.matmul %slice3A_272, %get3A_275, %dot_general3A_279 {dimension_numbers = #tpu.dot_dimension_numbers<[1], [1], [0], [0], [0, 0, 1, 0], [], []>, transpose_lhs_hint = false} : vector<128x128xf32>, vector<128x128xf32>, vector<128x128xf32> -> vector<128x128xf32>
    %dot_general3A_281 = arith.constant dense<0.000000e+00> : vector<128x128xf32>
    %dot_general3A_282 = tpu.matmul %slice3A_272, %get3A_278, %dot_general3A_281 {dimension_numbers = #tpu.dot_dimension_numbers<[1], [1], [0], [0], [0, 0, 1, 0], [], []>, transpose_lhs_hint = false} : vector<128x128xf32>, vector<128x128xf32>, vector<128x128xf32> -> vector<128x128xf32>
    %mul3A_283 = arith.mulf %dot_general3A_280, %convert_element_type3A_9 : vector<128x128xf32>
    %reduce_sum3A_284 = arith.constant dense<0.000000e+00> : vector<128xf32>
    %reduce_sum3A_285 = vector.multi_reduction <add>, %mul3A_283, %reduce_sum3A_284 [0] : vector<128x128xf32> to vector<128xf32>
    %broadcast_in_dim3A_286 = vector.shape_cast %reduce_sum3A_285 : vector<128xf32> to vector<1x128xf32>
    %mul3A_287 = arith.mulf %dot_general3A_282, %convert_element_type3A_9 : vector<128x128xf32>
    %reduce_sum3A_288 = arith.constant dense<0.000000e+00> : vector<128xf32>
    %reduce_sum3A_289 = vector.multi_reduction <add>, %mul3A_287, %reduce_sum3A_288 [0] : vector<128x128xf32> to vector<128xf32>
    %broadcast_in_dim3A_290 = vector.shape_cast %reduce_sum3A_289 : vector<128xf32> to vector<1x128xf32>
    %slice3A_291 = vector.extract_strided_slice %dot_general3A_5 {offsets = [1920, 0], sizes = [128, 128], strides = [1, 1]} : vector<2048x128xf32> to vector<128x128xf32>
    %get3A_292 = arith.constant 1920 : index
    %get3A_293 = arith.constant 0 : index
    %get3A_294 = vector.load %arg2[%get3A_292, %get3A_293] : memref<2048x128xf32, #tpu.memory_space<vmem>>, vector<128x128xf32>
    %get3A_295 = arith.constant 1920 : index
    %get3A_296 = arith.constant 0 : index
    %get3A_297 = vector.load %arg3[%get3A_295, %get3A_296] : memref<2048x128xf32, #tpu.memory_space<vmem>>, vector<128x128xf32>
    %dot_general3A_298 = arith.constant dense<0.000000e+00> : vector<128x128xf32>
    %dot_general3A_299 = tpu.matmul %slice3A_291, %get3A_294, %dot_general3A_298 {dimension_numbers = #tpu.dot_dimension_numbers<[1], [1], [0], [0], [0, 0, 1, 0], [], []>, transpose_lhs_hint = false} : vector<128x128xf32>, vector<128x128xf32>, vector<128x128xf32> -> vector<128x128xf32>
    %dot_general3A_300 = arith.constant dense<0.000000e+00> : vector<128x128xf32>
    %dot_general3A_301 = tpu.matmul %slice3A_291, %get3A_297, %dot_general3A_300 {dimension_numbers = #tpu.dot_dimension_numbers<[1], [1], [0], [0], [0, 0, 1, 0], [], []>, transpose_lhs_hint = false} : vector<128x128xf32>, vector<128x128xf32>, vector<128x128xf32> -> vector<128x128xf32>
    %mul3A_302 = arith.mulf %dot_general3A_299, %convert_element_type3A_9 : vector<128x128xf32>
    %reduce_sum3A_303 = arith.constant dense<0.000000e+00> : vector<128xf32>
    %reduce_sum3A_304 = vector.multi_reduction <add>, %mul3A_302, %reduce_sum3A_303 [0] : vector<128x128xf32> to vector<128xf32>
    %broadcast_in_dim3A_305 = vector.shape_cast %reduce_sum3A_304 : vector<128xf32> to vector<1x128xf32>
    %mul3A_306 = arith.mulf %dot_general3A_301, %convert_element_type3A_9 : vector<128x128xf32>
    %reduce_sum3A_307 = arith.constant dense<0.000000e+00> : vector<128xf32>
    %reduce_sum3A_308 = vector.multi_reduction <add>, %mul3A_306, %reduce_sum3A_307 [0] : vector<128x128xf32> to vector<128xf32>
    %broadcast_in_dim3A_309 = vector.shape_cast %reduce_sum3A_308 : vector<128xf32> to vector<1x128xf32>
    %concatenate3A = tpu.concatenate %broadcast_in_dim3A, %broadcast_in_dim3A_39, %broadcast_in_dim3A_58, %broadcast_in_dim3A_77, %broadcast_in_dim3A_96, %broadcast_in_dim3A_115, %broadcast_in_dim3A_134, %broadcast_in_dim3A_153, %broadcast_in_dim3A_172, %broadcast_in_dim3A_191, %broadcast_in_dim3A_210, %broadcast_in_dim3A_229, %broadcast_in_dim3A_248, %broadcast_in_dim3A_267, %broadcast_in_dim3A_286, %broadcast_in_dim3A_305 in 0 : vector<1x128xf32>, vector<1x128xf32>, vector<1x128xf32>, vector<1x128xf32>, vector<1x128xf32>, vector<1x128xf32>, vector<1x128xf32>, vector<1x128xf32>, vector<1x128xf32>, vector<1x128xf32>, vector<1x128xf32>, vector<1x128xf32>, vector<1x128xf32>, vector<1x128xf32>, vector<1x128xf32>, vector<1x128xf32> -> vector<16x128xf32>
    %add3A = vector.broadcast %get3A_7 : f32 to vector<16x128xf32>
    %add3A_310 = arith.addf %concatenate3A, %add3A : vector<16x128xf32>
    %concatenate3A_311 = tpu.concatenate %broadcast_in_dim3A_24, %broadcast_in_dim3A_43, %broadcast_in_dim3A_62, %broadcast_in_dim3A_81, %broadcast_in_dim3A_100, %broadcast_in_dim3A_119, %broadcast_in_dim3A_138, %broadcast_in_dim3A_157, %broadcast_in_dim3A_176, %broadcast_in_dim3A_195, %broadcast_in_dim3A_214, %broadcast_in_dim3A_233, %broadcast_in_dim3A_252, %broadcast_in_dim3A_271, %broadcast_in_dim3A_290, %broadcast_in_dim3A_309 in 0 : vector<1x128xf32>, vector<1x128xf32>, vector<1x128xf32>, vector<1x128xf32>, vector<1x128xf32>, vector<1x128xf32>, vector<1x128xf32>, vector<1x128xf32>, vector<1x128xf32>, vector<1x128xf32>, vector<1x128xf32>, vector<1x128xf32>, vector<1x128xf32>, vector<1x128xf32>, vector<1x128xf32>, vector<1x128xf32> -> vector<16x128xf32>
    %add3A_312 = vector.broadcast %get3A_7 : f32 to vector<16x128xf32>
    %add3A_313 = arith.addf %concatenate3A_311, %add3A_312 : vector<16x128xf32>
    %max3A = arith.constant 0.000000e+00 : f32
    %max3A_314 = vector.broadcast %max3A : f32 to vector<16x128xf32>
    %max3A_315 = arith.maximumf %add3A_310, %max3A_314 : vector<16x128xf32>
    %sub3A = arith.subf %max3A_315, %add3A_310 : vector<16x128xf32>
    %abs3A = math.absf %add3A_310 : vector<16x128xf32>
    %neg3A = arith.constant 0.000000e+00 : f32
    %neg3A_316 = vector.broadcast %neg3A : f32 to vector<16x128xf32>
    %neg3A_317 = arith.subf %neg3A_316, %abs3A : vector<16x128xf32>
    %exp3A = math.exp %neg3A_317 : vector<16x128xf32>
    %add3A_318 = arith.constant 1.000000e+00 : f32
    %add3A_319 = vector.broadcast %add3A_318 : f32 to vector<16x128xf32>
    %add3A_320 = arith.addf %add3A_319, %exp3A : vector<16x128xf32>
    %log3A = math.log %add3A_320 : vector<16x128xf32>
    %add3A_321 = arith.addf %sub3A, %log3A : vector<16x128xf32>
    %max3A_322 = arith.constant 0.000000e+00 : f32
    %max3A_323 = vector.broadcast %max3A_322 : f32 to vector<16x128xf32>
    %max3A_324 = arith.maximumf %add3A_313, %max3A_323 : vector<16x128xf32>
    %abs3A_325 = math.absf %add3A_313 : vector<16x128xf32>
    %neg3A_326 = arith.constant 0.000000e+00 : f32
    %neg3A_327 = vector.broadcast %neg3A_326 : f32 to vector<16x128xf32>
    %neg3A_328 = arith.subf %neg3A_327, %abs3A_325 : vector<16x128xf32>
    %exp3A_329 = math.exp %neg3A_328 : vector<16x128xf32>
    %add3A_330 = arith.constant 1.000000e+00 : f32
    %add3A_331 = vector.broadcast %add3A_330 : f32 to vector<16x128xf32>
    %add3A_332 = arith.addf %add3A_331, %exp3A_329 : vector<16x128xf32>
    %log3A_333 = math.log %add3A_332 : vector<16x128xf32>
    %add3A_334 = arith.addf %max3A_324, %log3A_333 : vector<16x128xf32>
    %add3A_335 = arith.addf %add3A_321, %add3A_334 : vector<16x128xf32>
    %reduce_sum3A_336 = vector.shape_cast %add3A_335 : vector<16x128xf32> to vector<1x16x128xf32>
    %reduce_sum3A_337 = arith.constant dense<0.000000e+00> : vector<1xf32>
    %reduce_sum3A_338 = vector.multi_reduction <add>, %reduce_sum3A_336, %reduce_sum3A_337 [1, 2] : vector<1x16x128xf32> to vector<1xf32>
    %reduce_sum3A_339 = vector.shape_cast %reduce_sum3A_338 : vector<1xf32> to vector<1x1x1xf32>
    %reduce_sum3A_340 = vector.extract %reduce_sum3A_339[0, 0, 0] : f32 from vector<1x1x1xf32>
    %eq3A_341 = arith.constant 0 : i32
    %eq3A_342 = arith.cmpi eq, %arg0, %eq3A_341 : i32
    %convert_element_type3A_343 = arith.extui %eq3A_342 : i1 to i32
    %cond3A = arith.constant 0 : i32
    %cond3A_344 = arith.cmpi ne, %convert_element_type3A_343, %cond3A : i32
    scf.if %cond3A_344 {
      %swap3A_349 = arith.constant 0.000000e+00 : f32
      %swap3A_350 = arith.constant 0 : index
      %swap3A_351 = memref.load %arg6[%swap3A_350] : memref<1xf32, #tpu.memory_space<smem>>
      memref.store %swap3A_349, %arg6[%swap3A_350] : memref<1xf32, #tpu.memory_space<smem>>
    } else {
    }
    %get3A_345 = arith.constant 0 : index
    %get3A_346 = memref.load %arg6[%get3A_345] : memref<1xf32, #tpu.memory_space<smem>>
    %add3A_347 = arith.addf %get3A_346, %reduce_sum3A_340 : f32
    %swap3A = arith.constant 0 : index
    %swap3A_348 = memref.load %arg6[%swap3A] : memref<1xf32, #tpu.memory_space<smem>>
    memref.store %add3A_347, %arg6[%swap3A] : memref<1xf32, #tpu.memory_space<smem>>
    return
  }
  func.func @transform_0(%arg0: i32) -> (i32, i32) {
    %c0_i32 = arith.constant 0 : i32
    %c0_i32_0 = arith.constant 0 : i32
    return %arg0, %c0_i32 : i32, i32
  }
  func.func @transform_1(%arg0: i32) -> (i32, i32) {
    %c0_i32 = arith.constant 0 : i32
    %c0_i32_0 = arith.constant 0 : i32
    return %arg0, %c0_i32 : i32, i32
  }
  func.func @transform_2(%arg0: i32) -> (i32, i32) {
    %c0_i32 = arith.constant 0 : i32
    %c0_i32_0 = arith.constant 0 : i32
    return %arg0, %c0_i32 : i32, i32
  }
  func.func @transform_3(%arg0: i32) -> (i32, i32) {
    %c0_i32 = arith.constant 0 : i32
    %c0_i32_0 = arith.constant 0 : i32
    %c0_i32_1 = arith.constant 0 : i32
    return %c0_i32, %c0_i32_0 : i32, i32
  }
  func.func @transform_4(%arg0: i32) -> i32 {
    %c0_i32 = arith.constant 0 : i32
    %c0_i32_0 = arith.constant 0 : i32
    return %c0_i32 : i32
  }
  func.func @transform_5(%arg0: i32) -> i32 {
    %c0_i32 = arith.constant 0 : i32
    %c0_i32_0 = arith.constant 0 : i32
    return %c0_i32 : i32
  }
}

</mosaic_0001>

<sc_bundles>
// kernel: kernel.6.cloned.1.call-start
scs
__scs_entry_jumppad:
0x0: {  	(pc) =	sbr.rel $0x88, $3  }
0x1: {  	(tag) =	ssettag $0x0;
	lr =	simm.s32 $0x1  }
0x2: {  	[smem:$0x3F9A] =	sst lr;
	_ =	strace $0xD0000000  }
0x3: {  	_ = 	snop  }
0x4: {  	_ = 	snop  }
0x5: {  	_ = 	snop  }
0x6: {  	_ = 	snop  }
0x7: {  	_ = 	snop  }
__scs_overlays_trampoline_lowered:
0x8: {  	[smem:$0x3FA9] =	sst s0  }
0x9: {  	[smem:$0x3FAA] =	sst s1  }
0xa: {  	[smem:$0x3FAB] =	sst s2  }
0xb: {  	[smem:$0x3FAC] =	sst s3  }
0xc: {  	[smem:$0x3FAD] =	sst s4  }
0xd: {  	[smem:$0x3FAE] =	sst s5  }
0xe: {  	[smem:$0x3FAF] =	sst s6  }
0xf: {  	[smem:$0x3FB0] =	sst s7  }
0x10: {  	[smem:$0x3FB1] =	sst s8  }
0x11: {  	[smem:$0x3FB2] =	sst s9;
	s0 =	simm.s32 @!p0 $0x0  }
0x12: {  	s1 =	sld [smem:$0x3F98];
	s0 =	simm.s32 @p0 $0x1  }
0x13: {  	[smem:$0x3FB3] =	sst s0;
	s0 =	simm.s32 @!p1 $0x0  }
0x14: {  	s2 =	sld [smem:$0x3F97];
	s0 =	simm.s32 @p1 $0x1  }
0x15: {  	[smem:$0x3FB4] =	sst s0;
	s0 =	simm.s32 @!p2 $0x0  }
0x16: {  	s3 =	sld [smem:$0x3FDB];
	s0 =	simm.s32 @p2 $0x1  }
0x17: {  	s4 =	simm.s32 $0x1BF5;
	[smem:$0x3FB6] =	sst s0  }
0x18: {  	s0 =	sld [smem:$0x3F99];
	_ =	swait.ge [sflag:s4], $0x0  }
0x19: {  	s7 =	sld [smem:$0x3F9A]  }
0x1a: {  	s8 =	sadd.s32 $0xFFFFE003, lr  }
0x1b: {  	s9 =	sadd.s32 $0xFFFFFEF7, lr;
	s5 =	simm.s32 $0xFFFFFFFF;
	p2 =	slt.u32 s8, $0xFFFFF086  }
0x1c: {  	p1 =	slt.u32 s9, $0xF7A;
	s5 =	simm.s32 @!p2 $0x0  }
0x1d: {  	s5 =	simm.s32 @p1 $0x1;
	p0 =	seq.s32 s7, s2  }
0x1e: {  	s7 =	smul.u32 @!p0 $0xF7A, s2;
	p2 =	seq.s32 @!p0 s5, $0x0  }
0x1f: {  	s9 =	smul.u32 $0xF7A, s1;
	s8 =	simm.s32 @!p0 $0x1BF5;
	p2 =	por !p2, p0  }
0x20: {  	[sflag:s8] =	ssyncset.s32 @!p0 $0xFFFFF086;
	s6 =	sadd.s32 @!p0 s3, s7;
	s7 =	simm.s32 @!p0 $0x108  }
0x21: {  	s3 =	sadd.s32 s3, s9;
	s6 =	sadd.s32 @!p0 $0x88, s6;
	s7 =	simm.s32 @p2 $0x1082  }
0x22: {  	[simem:s7], [sflag:s8] =	dma.local @!p0 [hbm:s6], $0xF7A  }
0x23: {  	s9 =	sor.u32 $0xD0000000, s2;
	s6 =	simm.s32 $0x108;
	_ =	swait.ge @!p0 [sflag:s8], $0x0  }
0x24: {  	s3 =	sadd.s32 $0x88, s3;
	s6 =	simm.s32 @!p1 $0x1082;
	[sflag:s4] =	ssyncset.s32 $0xFFFFF086  }
0x25: {  	[simem:s6], [sflag:s4] =	dma.local [hbm:s3], $0xF7A  }
0x26: {  	[smem:$0x3F9A] =	sst s1;
	(tag) =	ssettag s2;
	_ =	strace s9  }
0x27: {  	s1 =	sld [smem:$0x3FAA]  }
0x28: {  	s2 =	sld [smem:$0x3FAB]  }
0x29: {  	s4 =	sld [smem:$0x3FAD]  }
0x2a: {  	p0 =	seq.s32 s5, $0x0;
	s5 =	sld [smem:$0x3FAE]  }
0x2b: {  	s6 =	sld [smem:$0x3FAF]  }
0x2c: {  	s7 =	sld [smem:$0x3FB0]  }
0x2d: {  	s3 =	simm.s32 $0x108;
	s8 =	sld [smem:$0x3FB1]  }
0x2e: {  	s3 =	simm.s32 @!p0 $0x1082;
	s9 =	sld [smem:$0x3FB2]  }
0x2f: {  	lr =	sadd.s32 s0, s3;
	s0 =	sld [smem:$0x3FA9]  }
0x30: {  	s3 =	sld [smem:$0x3FAC]  }
0x31: {  	[smem:$0x3FB5] =	sst s10  }
0x32: {  	s10 =	sld [smem:$0x3FB3];
	_ =	sdelay $0x3  }
0x33: {  	p0 =	seq.s32 s10, $0x1;
	s10 =	sld [smem:$0x3FB5];
	_ =	sdelay $0x3  }
0x34: {  	[smem:$0x3FB5] =	sst s10  }
0x35: {  	s10 =	sld [smem:$0x3FB4];
	_ =	sdelay $0x3  }
0x36: {  	p1 =	seq.s32 s10, $0x1;
	s10 =	sld [smem:$0x3FB5];
	_ =	sdelay $0x3  }
0x37: {  	[smem:$0x3FB5] =	sst s10  }
0x38: {  	s10 =	sld [smem:$0x3FB6]  }
0x39: {  	_ = 	snop;
	(pc) =	sbr.ind lr, $3  }
0x3a: {  	_ = 	snop  }
0x3b: {  	_ = 	snop  }
0x3c: {  	p2 =	seq.s32 s10, $0x1;
	s10 =	sld [smem:$0x3FB5]  }
0x3d: {  	_ =	shalt  }
0x3e: {  	_ =	shalt  }
0x3f: {  	_ =	shalt  }
0x40: {  	_ =	shalt  }
0x41: {  	_ =	shalt  }
0x42: {  	_ =	shalt  }
0x43: {  	_ =	shalt  }
0x44: {  	_ =	shalt  }
0x45: {  	_ =	shalt  }
0x46: {  	_ =	shalt  }
0x47: {  	_ =	shalt  }
0x48: {  	_ =	shalt  }
0x49: {  	_ =	shalt  }
0x4a: {  	_ =	shalt  }
0x4b: {  	_ =	shalt  }
0x4c: {  	_ =	shalt  }
0x4d: {  	_ =	shalt  }
0x4e: {  	_ =	shalt  }
0x4f: {  	_ =	shalt  }
0x50: {  	_ =	shalt  }
0x51: {  	_ =	shalt  }
0x52: {  	_ =	shalt  }
0x53: {  	_ =	shalt  }
0x54: {  	_ =	shalt  }
0x55: {  	_ =	shalt  }
0x56: {  	_ =	shalt  }
0x57: {  	_ =	shalt  }
0x58: {  	_ =	shalt  }
0x59: {  	_ =	shalt  }
0x5a: {  	_ =	shalt  }
0x5b: {  	_ =	shalt  }
0x5c: {  	_ =	shalt  }
0x5d: {  	_ =	shalt  }
0x5e: {  	_ =	shalt  }
0x5f: {  	_ =	shalt  }
0x60: {  	_ =	shalt  }
0x61: {  	_ =	shalt  }
0x62: {  	_ =	shalt  }
0x63: {  	_ =	shalt  }
0x64: {  	_ =	shalt  }
0x65: {  	_ =	shalt  }
0x66: {  	_ =	shalt  }
0x67: {  	_ =	shalt  }
0x68: {  	_ =	shalt  }
0x69: {  	_ =	shalt  }
0x6a: {  	_ =	shalt  }
0x6b: {  	_ =	shalt  }
0x6c: {  	_ =	shalt  }
0x6d: {  	_ =	shalt  }
0x6e: {  	_ =	shalt  }
0x6f: {  	_ =	shalt  }
0x70: {  	_ =	shalt  }
0x71: {  	_ =	shalt  }
0x72: {  	_ =	shalt  }
0x73: {  	_ =	shalt  }
0x74: {  	_ =	shalt  }
0x75: {  	_ =	shalt  }
0x76: {  	_ =	shalt  }
0x77: {  	_ =	shalt  }
0x78: {  	_ =	shalt  }
0x79: {  	_ =	shalt  }
0x7a: {  	_ =	shalt  }
0x7b: {  	_ =	shalt  }
0x7c: {  	_ =	shalt  }
0x7d: {  	_ =	shalt  }
0x7e: {  	_ =	shalt  }
0x7f: {  	_ =	shalt  }
0x80: {  	_ =	shalt  }
0x81: {  	_ =	shalt  }
0x82: {  	_ =	shalt  }
0x83: {  	_ =	shalt  }
0x84: {  	_ =	shalt  }
0x85: {  	_ =	shalt  }
0x86: {  	_ =	shalt  }
0x87: {  	_ =	shalt  }
.Lfunc_end0:
.L_simem_size_0:
called_computation_lowered:
.L_overlay_start_0:
0x88: {  	s2 =	sld [smem:$0x3FD9]  }
0x89: {  	s3 =	sld [smem:$0x3FFE];
	_ =	sdelay $0x1  }
0x8a: {  	s1 =	srdreg.scid  }
0x8b: {  	s0 =	sand.u32 $0x1, s1  }
0x8c: {  	s17 =	sshll.u32 s0, $0xA;
	s2 =	sadd.s32 s3, s2  }
0x8d: {  	s2 =	sadd.s32 s2, s17  }
0x8e: {  	[smem:$0x3FC1] =	sst s2  }
0x8f: {  	_ = 	snop  }
0x90: {  	s18 =	sld [smem:$0x3FC9]  }
0x91: {  	s4 =	sld [smem:$0x3FC8]  }
0x92: {  	s5 =	sld [smem:$0x3FC5]  }
0x93: {  	s6 =	sld [smem:$0x3FC4]  }
0x94: {  	s7 =	sld [smem:$0x3FC3];
	(tm) =	ssettm $0x1  }
0x95: {  	s19 =	sld [smem:$0x3FFB];
	_ =	sdelay $0x3  }
0x96: {  	_ =	strace s19  }
0x97: {  	s2 =	sld [smem:$0x3FFC];
	_ =	sdelay $0x3  }
0x98: {  	_ =	strace s2  }
0x99: {  	s2 =	sld [smem:$0x3FFD];
	_ =	sdelay $0x3  }
0x9a: {  	_ =	strace s2  }
0x9b: {  	_ =	strace $0x8FFFFFFF  }
0x9c: {  	s20 =	sld [smem:$0x3FDB];
	_ =	sdelay $0x1  }
0x9d: {  	s8 =	simm.s32 $_scs_section_size  }
0x9e: {  	s9 =	simm.s32 $_size__tile_overlayer_lowered;
	s10 =	simm.s32 $_tile_overlayer_lowered  }
0x9f: {  	s11 =	simm.s32 $0x1BFF;
	s21 =	sshll.u32 s10, $0x1;
	s8 =	sadd.s32 s8, s20  }
0xa0: {  	s22 =	simm.s32 $0x0;
	s9 =	sshll.u32 s9, $0x1;
	s10 =	sadd.s32 s21, s8  }
0xa1: {  	[timem:s22], [sflag:s11] =	dma.local [hbm:s10], s9  }
0xa2: {  	_ =	swait.ge [sflag:s11], s9  }
0xa3: {  	s9 =	ssub.s32 $0x0, s9;
	[sflag:s11] =	ssyncset.done $0x0  }
0xa4: {  	[sflag:s11] =	ssyncadd.s32 s9;
	_ =	sdelay $0x1  }
0xa5: {  	s23 =	simm.s32 $0x1B8B  }
0xa6: {  	_ =	swait.ge [sflag:s23], $0x1  }
0xa7: {  	[sflag:s23] =	ssyncset.done $0x0  }
0xa8: {  	[sflag:s23] =	ssyncadd.s32 $0xFFFFFFFF  }
0xa9: {  	s9 =	sld [smem:$0x0]  }
0xaa: {  	s10 =	sand.u32 $0xFFFFFFFE, s1  }
0xab: {  	p0 =	sne.s32 s1, s10  }
0xac: {  	s10 =	sshll.u32 @p0 s10, $0xE  }
0xad: {  	s10 =	sadd.s32 @p0 $0x11B8D, s10;
	s11 =	sshll.u32 @p0 s9, $0x11  }
0xae: {  	s10 =	sor.u32 @p0 s11, s10  }
0xaf: {  	[sflag:s10] =	ssyncadd.remote.s32 @p0 $0x1;
	_ =	sdelay $0x1  }
0xb0: {  	s10 =	simm.s32 @p0 $0x1B8D  }
0xb1: {  	_ =	swait.eq @p0 [sflag:s10], $0x1  }
0xb2: {  	[sflag:s10] =	ssyncadd.s32 @p0 $0xFFFFFFFF  }
0xb3: {  	s11 =	sshll.u32 @!p0 s1, $0xE  }
0xb4: {  	s11 =	sor.u32 @!p0 $0x4000, s11;
	s10 =	simm.s32 @!p0 $0x1B8D  }
0xb5: {  	s9 =	sshll.u32 @!p0 s9, $0x11;
	s11 =	sadd.s32 @!p0 $0x11B8D, s11;
	_ =	swait.eq @!p0 [sflag:s10], $0x1  }
0xb6: {  	s9 =	sor.u32 @!p0 s9, s11;
	[sflag:s10] =	ssyncadd.s32 @!p0 $0xFFFFFFFF  }
0xb7: {  	s25 =	simm.s32 $0x1B8E;
	s24 =	sld [smem:$0x3FFE];
	[sflag:s9] =	ssyncadd.remote.s32 @!p0 $0x1  }
0xb8: {  	s26 =	simm.s32 $execute0_lowered;
	[smem:$0x3FD2] =	sst s25  }
0xb9: {  	s10 =	sshll.u32 s26, $0x1;
	_ =	strace $0x80000049;
	[dreg:$0x1] =	wrdreg $0xFFFFFFFF  }
0xba: {  	s28 =	simm.s32 $_size_execute0_lowered;
	s8 =	sadd.s32 s8, s10;
	[dreg:$0x0] =	wrdreg $0x0  }
0xbb: {  	s10 =	sshll.u32 s28, $0x1;
	[dreg:$0x2] =	wrdreg s8  }
0xbc: {  	[dreg:$0x3] =	wrdreg s10  }
0xbd: {  	[dreg:$0x4] =	wrdreg $0xC0  }
0xbe: {  	_ =	task [dreg:s22], $0x5FFFF  }
0xbf: {  	[dreg:$0x1] =	wrdreg $0xFFFFFFFF  }
0xc0: {  	[dreg:$0x0] =	wrdreg $0x60  }
0xc1: {  	[dreg:$0x2] =	wrdreg s18  }
0xc2: {  	[dreg:$0x3] =	wrdreg s4  }
0xc3: {  	[dreg:$0x4] =	wrdreg s5  }
0xc4: {  	[dreg:$0x5] =	wrdreg s6  }
0xc5: {  	[dreg:$0x6] =	wrdreg s7  }
0xc6: {  	[dreg:$0x7] =	wrdreg s24  }
0xc7: {  	[dreg:$0x8] =	wrdreg $0x9  }
0xc8: {  	_ =	task.clear_ibuf [dreg:s22], $0x9FFFF;
	_ =	strace $0x90000049  }
0xc9: {  	s29 =	simm.s32 $0x9;
	_ =	strace $0x8000004B  }
0xca: {  	_ =	swait.ge [sflag:s29], $0x1  }
0xcb: {  	[sflag:s29] =	ssyncadd.s32 $0xFFFFFFFF  }
0xcc: {  	_ =	strace $0x9000004B  }
0xcd: {  	_ =	sfence  }
0xce: {  	s30 =	sld [smem:$0x0];
	_ =	sdelay $0x2  }
0xcf: {  	s31 =	sshll.u32 s1, $0xD;
	s1 =	sshrl.u32 s1, $0x2  }
0xd0: {  	s4 =	sand.u32 $0x4000, s31;
	s1 =	sadd.s32 s1, s30  }
0xd1: {  	s0 =	sor.u32 s4, s0;
	s1 =	sshll.u32 s1, $0x11  }
0xd2: {  	s0 =	sor.u32 s1, s0  }
0xd3: {  	s0 =	sadd.s32 $0x8F2B, s0  }
0xd4: {  	[sflag:s0] =	ssyncadd.remote.s32 $0x1  }
0xd5: {  	_ =	sfence.sel $0xFFFF  }
0xd6: {  	[dreg:$0x0] =	wrdreg $0xFFFFFFFF;
	(pc) =	sbr.abs _section_cstart, $3  }
0xd7: {  	[dreg:$0x1] =	wrdreg $0xFFFFFFFF  }
0xd8: {  	_ =	task.clear_ibuf [dreg:s22], $0x2FFFF;
	_ =	strace $0x9FFFFFFF  }
0xd9: {  	(tm) =	ssettm $0x7FFFFFFF  }
tec
execute0_lowered:
.L_overlay_start_1:
0x0: {  	(tag) =	ssettag $0x1  }
0x1: {  	s0 =	rddreg [dreg:$0x0]  }
0x2: {  	s2 =	rddreg [dreg:$0x1]  }
0x3: {  	s5 =	rddreg [dreg:$0x2]  }
0x4: {  	s7 =	rddreg [dreg:$0x3]  }
0x5: {  	s3 =	srdreg.scid;
	s1 =	stileid.u32  }
0x6: {  	s9 =	rddreg [dreg:$0x4];
	s30 =	sand.u32 $0x1, s3;
	s6 =	sshll.u32 s1, $0x1  }
0x7: {  	s28 =	rddreg [dreg:$0x5];
	s4 =	simm.s32 $0x0;
	s16 =	sor.u32 s30, s6  }
0x8: {  	[smem:$0x7FF] =	sst s4;
	s10 =	sshll.u32 s16, $0x5  }
0x9: {  	_ =	strace $0x8000004A;
	s6 =	simm.s32 $0x7;
	s5 =	sadd.s32 s5, s10  }
0xa: {  	[tilespmem:s4], [sflag:$0x7] =	stream.linear.gather [hbm4b:s5+s4], $0x100, $0x38;
	[tilespmem:$0xC300] =	vst v63  }
0xb: {  	_ =	swait.ge [sflag:s6], $0x100  }
0xc: {  	[sflag:s6] =	ssyncset.done $0x0  }
0xd: {  	s8 =	simm.s32 $0x100;
	s7 =	sadd.s32 s7, s10;
	[sflag:s6] =	ssyncadd.s32 $0xFFFFFF00  }
0xe: {  	[tilespmem:s8], [sflag:$0x7] =	stream.linear.gather [hbm4b:s7+s4], $0x100, $0x38;
	[tilespmem:$0xC300] =	vst v63  }
0xf: {  	_ =	swait.ge [sflag:s6], $0x100  }
0x10: {  	[sflag:s6] =	ssyncset.done $0x0  }
0x11: {  	s9 =	sadd.s32 s9, s10;
	s10 =	simm.s32 $0x200;
	[sflag:s6] =	ssyncadd.s32 $0xFFFFFF00  }
0x12: {  	[tilespmem:s10], [sflag:$0x7] =	stream.linear.gather [hbm4b:s9+s4], $0x100, $0x38;
	[tilespmem:$0xC300] =	vst v63  }
0x13: {  	_ =	swait.ge [sflag:s6], $0x100  }
0x14: {  	[sflag:s6] =	ssyncset.done $0x0  }
0x15: {  	s11 =	simm.s32 $0x80;
	s12 =	simm.s32 $0x300;
	[sflag:s6] =	ssyncadd.s32 $0xFFFFFF00  }
0x16: {  	[tilespmem:s12], [sflag:$0x1] =	stream.indirect.gather [hbm4b:s0+s11], $0x80, s4, s11, $0xb8;
	[tilespmem:$0xC300] =	vst v63  }
0x17: {  	s13 =	simm.s32 $0x4300  }
0x18: {  	[tilespmem:s13], [sflag:$0x2] =	stream.indirect.gather [hbm4b:s0+s11], $0x80, s11, s11, $0xb8;
	[tilespmem:$0xC300] =	vst v63  }
0x19: {  	s14 =	simm.s32 $0x8300;
	s15 =	simm.s32 $0x1  }
0x1a: {  	[tilespmem:s14], [sflag:$0x3] =	stream.indirect.gather [hbm4b:s2+s11], $0x80, s8, s11, $0xb8;
	[tilespmem:$0xC300] =	vst v63  }
0x1b: {  	_ =	swait.ge [sflag:s15], $0x4000  }
0x1c: {  	s20 =	sadd.s32 $0x61E00, s28;
	s29 =	sshll.u32 s16, $0xC;
	[sflag:s15] =	ssyncset.done $0x0  }
0x1d: {  	s17 =	simm.s32 $0x4;
	s16 =	sadd.s32 s20, s29;
	[sflag:s15] =	ssyncadd.s32 $0xFFFFC000  }
0x1e: {  	[hbm4b:s16+s4] =	stream.linear.scatter [tilespmem:s12], [sflag:$0x4], $0x4000, $0x38;
	[tilespmem:$0xC300] =	vst v63  }
0x1f: {  	_ =	swait.ge [sflag:s17], $0x4000  }
0x20: {  	[sflag:s17] =	ssyncset.done $0x0  }
0x21: {  	s18 =	simm.s32 $0x180;
	s19 =	simm.s32 $0x2;
	[sflag:s17] =	ssyncadd.s32 $0xFFFFC000  }
0x22: {  	[tilespmem:s12], [sflag:$0x1] =	stream.indirect.gather [hbm4b:s2+s11], $0x80, s18, s11, $0xb8;
	[tilespmem:$0xC300] =	vst v63  }
0x23: {  	_ =	swait.ge [sflag:s19], $0x4000  }
0x24: {  	s31 =	sor.u32 $0x800, s29;
	[sflag:s19] =	ssyncset.done $0x0  }
0x25: {  	s21 =	simm.s32 $0x5;
	s20 =	sadd.s32 s20, s31;
	[sflag:s19] =	ssyncadd.s32 $0xFFFFC000  }
0x26: {  	[hbm4b:s20+s4] =	stream.linear.scatter [tilespmem:s13], [sflag:$0x5], $0x4000, $0x38;
	[tilespmem:$0xC300] =	vst v63  }
0x27: {  	_ =	swait.ge [sflag:s21], $0x4000  }
0x28: {  	[sflag:s21] =	ssyncset.done $0x0  }
0x29: {  	s22 =	simm.s32 $0x3;
	[sflag:s21] =	ssyncadd.s32 $0xFFFFC000  }
0x2a: {  	[tilespmem:s13], [sflag:$0x2] =	stream.indirect.gather [hbm4b:s2+s11], $0x80, s10, s11, $0xb8;
	[tilespmem:$0xC300] =	vst v63  }
0x2b: {  	_ =	swait.ge [sflag:s22], $0x4000  }
0x2c: {  	s26 =	sadd.s32 $0x81E00, s28;
	[sflag:s22] =	ssyncset.done $0x0  }
0x2d: {  	s24 =	simm.s32 $0x6;
	s23 =	sadd.s32 s26, s29;
	[sflag:s22] =	ssyncadd.s32 $0xFFFFC000  }
0x2e: {  	[hbm4b:s23+s4] =	stream.linear.scatter [tilespmem:s14], [sflag:$0x6], $0x4000, $0x38;
	[tilespmem:$0xC300] =	vst v63  }
0x2f: {  	_ =	swait.ge [sflag:s24], $0x4000  }
0x30: {  	[sflag:s24] =	ssyncset.done $0x0  }
0x31: {  	s25 =	simm.s32 $0x280;
	[sflag:s24] =	ssyncadd.s32 $0xFFFFC000  }
0x32: {  	[tilespmem:s14], [sflag:$0x3] =	stream.indirect.gather [hbm4b:s2+s11], $0x80, s25, s11, $0xb8;
	[tilespmem:$0xC300] =	vst v63  }
0x33: {  	_ =	swait.ge [sflag:s15], $0x4000  }
0x34: {  	[sflag:s15] =	ssyncset.done $0x0  }
0x35: {  	s26 =	sadd.s32 s26, s31;
	[sflag:s15] =	ssyncadd.s32 $0xFFFFC000  }
0x36: {  	[hbm4b:s26+s4] =	stream.linear.scatter [tilespmem:s12], [sflag:$0x4], $0x4000, $0x38;
	[tilespmem:$0xC300] =	vst v63  }
0x37: {  	_ =	swait.ge [sflag:s19], $0x4000  }
0x38: {  	s3 =	sadd.s32 $0xA1E00, s28;
	[sflag:s19] =	ssyncset.done $0x0  }
0x39: {  	s28 =	sadd.s32 s3, s29;
	[sflag:s19] =	ssyncadd.s32 $0xFFFFC000  }
0x3a: {  	[hbm4b:s28+s4] =	stream.linear.scatter [tilespmem:s13], [sflag:$0x5], $0x4000, $0x38;
	[tilespmem:$0xC300] =	vst v63  }
0x3b: {  	_ =	swait.ge [sflag:s22], $0x4000  }
0x3c: {  	s29 =	sadd.s32 s3, s31;
	s31 =	ssub.s32 $0x2, s30;
	[sflag:s22] =	ssyncset.done $0x0  }
0x3d: {  	s30 =	sshrl.u32 s31, $0x1;
	[sflag:s22] =	ssyncadd.s32 $0xFFFFC000  }
0x3e: {  	[hbm4b:s29+s4] =	stream.linear.scatter [tilespmem:s14], [sflag:$0x6], $0x4000, $0x38;
	[tilespmem:$0xC300] =	vst v63  }
0x3f: {  	s3 =	ssub.s32 s31, s30;
	_ =	swait.ge [sflag:s17], $0x4000  }
0x40: {  	s3 =	smax.u32 s3, $0x1;
	[sflag:s17] =	ssyncset.done $0x0  }
0x41: {  	p0 =	sne.s32 s3, $0x1;
	[sflag:s17] =	ssyncadd.s32 $0xFFFFC000  }
.Ltmp0:
0x42: {  	_ =	swait.ge [sflag:s21], $0x4000;
	(pc) =	sbr.rel @!p0 .LBB2_2-.Ltmp0, $4  }
0x43: {  	[sflag:s21] =	ssyncset.done $0x0  }
0x44: {  	[sflag:s21] =	ssyncadd.s32 $0xFFFFC000  }
0x45: {  	_ =	swait.ge [sflag:s24], $0x4000  }
0x46: {  	s30 =	sadd.s32 $0xFFFFFFFF, s3;
	[sflag:s24] =	ssyncset.done $0x0  }
.LBB2_1:
0x47: {  	p0 =	sne.s32 s30, $0x1;
	s30 =	sadd.s32 $0xFFFFFFFF, s30;
	[sflag:s24] =	ssyncadd.s32 $0xFFFFC000  }
0x48: {  	[tilespmem:s4], [sflag:$0x7] =	stream.linear.gather [hbm4b:s5+s4], $0x100, $0x38;
	[tilespmem:$0xC300] =	vst v63  }
0x49: {  	_ =	swait.ge [sflag:s6], $0x100  }
0x4a: {  	[sflag:s6] =	ssyncset.done $0x0  }
0x4b: {  	[sflag:s6] =	ssyncadd.s32 $0xFFFFFF00  }
0x4c: {  	[tilespmem:s8], [sflag:$0x7] =	stream.linear.gather [hbm4b:s7+s4], $0x100, $0x38;
	[tilespmem:$0xC300] =	vst v63  }
0x4d: {  	_ =	swait.ge [sflag:s6], $0x100  }
0x4e: {  	[sflag:s6] =	ssyncset.done $0x0  }
0x4f: {  	[sflag:s6] =	ssyncadd.s32 $0xFFFFFF00  }
0x50: {  	[tilespmem:s10], [sflag:$0x7] =	stream.linear.gather [hbm4b:s9+s4], $0x100, $0x38;
	[tilespmem:$0xC300] =	vst v63  }
0x51: {  	_ =	swait.ge [sflag:s6], $0x100  }
0x52: {  	[sflag:s6] =	ssyncset.done $0x0  }
0x53: {  	[sflag:s6] =	ssyncadd.s32 $0xFFFFFF00  }
0x54: {  	[tilespmem:s12], [sflag:$0x1] =	stream.indirect.gather [hbm4b:s0+s11], $0x80, s4, s11, $0xb8;
	[tilespmem:$0xC300] =	vst v63  }
0x55: {  	_ = 	snop  }
0x56: {  	[tilespmem:s13], [sflag:$0x2] =	stream.indirect.gather [hbm4b:s0+s11], $0x80, s11, s11, $0xb8;
	[tilespmem:$0xC300] =	vst v63  }
0x57: {  	_ = 	snop  }
0x58: {  	[tilespmem:s14], [sflag:$0x3] =	stream.indirect.gather [hbm4b:s2+s11], $0x80, s8, s11, $0xb8;
	[tilespmem:$0xC300] =	vst v63  }
0x59: {  	_ =	swait.ge [sflag:s15], $0x4000  }
0x5a: {  	[sflag:s15] =	ssyncset.done $0x0  }
0x5b: {  	[sflag:s15] =	ssyncadd.s32 $0xFFFFC000  }
0x5c: {  	[hbm4b:s16+s4] =	stream.linear.scatter [tilespmem:s12], [sflag:$0x4], $0x4000, $0x38;
	[tilespmem:$0xC300] =	vst v63  }
0x5d: {  	_ =	swait.ge [sflag:s17], $0x4000  }
0x5e: {  	[sflag:s17] =	ssyncset.done $0x0  }
0x5f: {  	[sflag:s17] =	ssyncadd.s32 $0xFFFFC000  }
0x60: {  	[tilespmem:s12], [sflag:$0x1] =	stream.indirect.gather [hbm4b:s2+s11], $0x80, s18, s11, $0xb8;
	[tilespmem:$0xC300] =	vst v63  }
0x61: {  	_ =	swait.ge [sflag:s19], $0x4000  }
0x62: {  	[sflag:s19] =	ssyncset.done $0x0  }
0x63: {  	[sflag:s19] =	ssyncadd.s32 $0xFFFFC000  }
0x64: {  	[hbm4b:s20+s4] =	stream.linear.scatter [tilespmem:s13], [sflag:$0x5], $0x4000, $0x38;
	[tilespmem:$0xC300] =	vst v63  }
0x65: {  	_ =	swait.ge [sflag:s21], $0x4000  }
0x66: {  	[sflag:s21] =	ssyncset.done $0x0  }
0x67: {  	[sflag:s21] =	ssyncadd.s32 $0xFFFFC000  }
0x68: {  	[tilespmem:s13], [sflag:$0x2] =	stream.indirect.gather [hbm4b:s2+s11], $0x80, s10, s11, $0xb8;
	[tilespmem:$0xC300] =	vst v63  }
0x69: {  	_ =	swait.ge [sflag:s22], $0x4000  }
0x6a: {  	[sflag:s22] =	ssyncset.done $0x0  }
0x6b: {  	[sflag:s22] =	ssyncadd.s32 $0xFFFFC000  }
0x6c: {  	[hbm4b:s23+s4] =	stream.linear.scatter [tilespmem:s14], [sflag:$0x6], $0x4000, $0x38;
	[tilespmem:$0xC300] =	vst v63  }
0x6d: {  	_ =	swait.ge [sflag:s24], $0x4000  }
0x6e: {  	[sflag:s24] =	ssyncset.done $0x0  }
0x6f: {  	[sflag:s24] =	ssyncadd.s32 $0xFFFFC000  }
0x70: {  	[tilespmem:s14], [sflag:$0x3] =	stream.indirect.gather [hbm4b:s2+s11], $0x80, s25, s11, $0xb8;
	[tilespmem:$0xC300] =	vst v63  }
0x71: {  	_ =	swait.ge [sflag:s15], $0x4000  }
0x72: {  	[sflag:s15] =	ssyncset.done $0x0  }
0x73: {  	[sflag:s15] =	ssyncadd.s32 $0xFFFFC000  }
0x74: {  	[hbm4b:s26+s4] =	stream.linear.scatter [tilespmem:s12], [sflag:$0x4], $0x4000, $0x38;
	[tilespmem:$0xC300] =	vst v63  }
0x75: {  	_ =	swait.ge [sflag:s19], $0x4000  }
0x76: {  	[sflag:s19] =	ssyncset.done $0x0  }
0x77: {  	[sflag:s19] =	ssyncadd.s32 $0xFFFFC000  }
0x78: {  	[hbm4b:s28+s4] =	stream.linear.scatter [tilespmem:s13], [sflag:$0x5], $0x4000, $0x38;
	[tilespmem:$0xC300] =	vst v63  }
0x79: {  	_ =	swait.ge [sflag:s22], $0x4000  }
0x7a: {  	[sflag:s22] =	ssyncset.done $0x0  }
0x7b: {  	[sflag:s22] =	ssyncadd.s32 $0xFFFFC000  }
0x7c: {  	[hbm4b:s29+s4] =	stream.linear.scatter [tilespmem:s14], [sflag:$0x6], $0x4000, $0x38;
	[tilespmem:$0xC300] =	vst v63  }
0x7d: {  	_ =	swait.ge [sflag:s17], $0x4000  }
0x7e: {  	[sflag:s17] =	ssyncset.done $0x0  }
0x7f: {  	[sflag:s17] =	ssyncadd.s32 $0xFFFFC000  }
.Ltmp1:
0x80: {  	_ =	swait.ge [sflag:s21], $0x4000;
	(pc) =	sbr.rel @p0 .LBB2_1-.Ltmp1, $4  }
0x81: {  	[sflag:s21] =	ssyncset.done $0x0  }
0x82: {  	[sflag:s21] =	ssyncadd.s32 $0xFFFFC000  }
0x83: {  	_ =	swait.ge [sflag:s24], $0x4000  }
0x84: {  	[sflag:s24] =	ssyncset.done $0x0  }
.LBB2_2:
0x85: {  	[sflag:s24] =	ssyncadd.s32 $0xFFFFC000  }
0x86: {  	_ =	sfence.sel $0x180000  }
0x87: {  	[bflag:$0x0] =	sbarrier.arrive $0xFFFF  }
0x88: {  	_ =	strace $0x9000004A  }
0x89: {  	[bflag:$0x2] =	sbarrier.arrive $0xFFFF  }
0x8a: {  	p0 =	sne.s32 s1, $0x0;
	s0 =	rddreg [dreg:$0x6]  }
0x8b: {  	s0 =	sadd.s32 @!p0 $0x100000, s0  }
0x8c: {  	[sflag:s0] =	ssyncadd.tile.s32 @!p0 $0x1;
	_ =	shalt  }
.Lfunc_end2:
_tile_overlayer_lowered:
.L_overlay_start_2:
0x8d: {  	(tag) =	ssettag $0x2  }
0x8e: {  	s0 =	rddreg [dreg:$0x0];
	s2 =	stileid.u32  }
0x8f: {  	s1 =	rddreg [dreg:$0x1];
	p0 =	sne.s32 s2, $0x0  }
0x90: {  	s3 =	rddreg [dreg:$0x2];
	[bflag:$0x3] =	sbarrier.arrive $0xFFFF;
	s2 =	simm.s32 @!p0 $0x1C07  }
0x91: {  	[timem:s3], [sflag:s2] =	dma.local @!p0 [hbm:s0], s1  }
0x92: {  	s0 =	simm.s32 @!p0 $0x7  }
0x93: {  	_ =	swait.ge @!p0 [sflag:s0], s1  }
0x94: {  	s1 =	ssub.s32 @!p0 $0x0, s1;
	[sflag:s0] =	ssyncset.done @!p0 $0x0  }
0x95: {  	[sflag:s0] =	ssyncadd.s32 @!p0 s1  }
0x96: {  	[bflag:$0x3] =	sbarrier.arrive $0xFFFF  }
0x97: {  	_ =	shalt  }

// kernel: kernel.9.cloned.1.call-start
scs
__scs_entry_jumppad:
0x0: {  	(pc) =	sbr.rel $0x88, $3  }
0x1: {  	(tag) =	ssettag $0x0;
	lr =	simm.s32 $0x1  }
0x2: {  	[smem:$0x3F9A] =	sst lr;
	_ =	strace $0xD0000000  }
0x3: {  	_ = 	snop  }
0x4: {  	_ = 	snop  }
0x5: {  	_ = 	snop  }
0x6: {  	_ = 	snop  }
0x7: {  	_ = 	snop  }
__scs_overlays_trampoline_lowered:
0x8: {  	[smem:$0x3FA9] =	sst s0  }
0x9: {  	[smem:$0x3FAA] =	sst s1  }
0xa: {  	[smem:$0x3FAB] =	sst s2  }
0xb: {  	[smem:$0x3FAC] =	sst s3  }
0xc: {  	[smem:$0x3FAD] =	sst s4  }
0xd: {  	[smem:$0x3FAE] =	sst s5  }
0xe: {  	[smem:$0x3FAF] =	sst s6  }
0xf: {  	[smem:$0x3FB0] =	sst s7  }
0x10: {  	[smem:$0x3FB1] =	sst s8  }
0x11: {  	[smem:$0x3FB2] =	sst s9;
	s0 =	simm.s32 @!p0 $0x0  }
0x12: {  	s1 =	sld [smem:$0x3F98];
	s0 =	simm.s32 @p0 $0x1  }
0x13: {  	[smem:$0x3FB3] =	sst s0;
	s0 =	simm.s32 @!p1 $0x0  }
0x14: {  	s2 =	sld [smem:$0x3F97];
	s0 =	simm.s32 @p1 $0x1  }
0x15: {  	[smem:$0x3FB4] =	sst s0;
	s0 =	simm.s32 @!p2 $0x0  }
0x16: {  	s3 =	sld [smem:$0x3FDB];
	s0 =	simm.s32 @p2 $0x1  }
0x17: {  	s4 =	simm.s32 $0x1BF5;
	[smem:$0x3FB6] =	sst s0  }
0x18: {  	s0 =	sld [smem:$0x3F99];
	_ =	swait.ge [sflag:s4], $0x0  }
0x19: {  	s7 =	sld [smem:$0x3F9A]  }
0x1a: {  	s8 =	sadd.s32 $0xFFFFE003, lr  }
0x1b: {  	s9 =	sadd.s32 $0xFFFFFEF7, lr;
	s5 =	simm.s32 $0xFFFFFFFF;
	p2 =	slt.u32 s8, $0xFFFFF086  }
0x1c: {  	p1 =	slt.u32 s9, $0xF7A;
	s5 =	simm.s32 @!p2 $0x0  }
0x1d: {  	s5 =	simm.s32 @p1 $0x1;
	p0 =	seq.s32 s7, s2  }
0x1e: {  	s7 =	smul.u32 @!p0 $0xF7A, s2;
	p2 =	seq.s32 @!p0 s5, $0x0  }
0x1f: {  	s9 =	smul.u32 $0xF7A, s1;
	s8 =	simm.s32 @!p0 $0x1BF5;
	p2 =	por !p2, p0  }
0x20: {  	[sflag:s8] =	ssyncset.s32 @!p0 $0xFFFFF086;
	s6 =	sadd.s32 @!p0 s3, s7;
	s7 =	simm.s32 @!p0 $0x108  }
0x21: {  	s3 =	sadd.s32 s3, s9;
	s6 =	sadd.s32 @!p0 $0x88, s6;
	s7 =	simm.s32 @p2 $0x1082  }
0x22: {  	[simem:s7], [sflag:s8] =	dma.local @!p0 [hbm:s6], $0xF7A  }
0x23: {  	s9 =	sor.u32 $0xD0000000, s2;
	s6 =	simm.s32 $0x108;
	_ =	swait.ge @!p0 [sflag:s8], $0x0  }
0x24: {  	s3 =	sadd.s32 $0x88, s3;
	s6 =	simm.s32 @!p1 $0x1082;
	[sflag:s4] =	ssyncset.s32 $0xFFFFF086  }
0x25: {  	[simem:s6], [sflag:s4] =	dma.local [hbm:s3], $0xF7A  }
0x26: {  	[smem:$0x3F9A] =	sst s1;
	(tag) =	ssettag s2;
	_ =	strace s9  }
0x27: {  	s1 =	sld [smem:$0x3FAA]  }
0x28: {  	s2 =	sld [smem:$0x3FAB]  }
0x29: {  	s4 =	sld [smem:$0x3FAD]  }
0x2a: {  	p0 =	seq.s32 s5, $0x0;
	s5 =	sld [smem:$0x3FAE]  }
0x2b: {  	s6 =	sld [smem:$0x3FAF]  }
0x2c: {  	s7 =	sld [smem:$0x3FB0]  }
0x2d: {  	s3 =	simm.s32 $0x108;
	s8 =	sld [smem:$0x3FB1]  }
0x2e: {  	s3 =	simm.s32 @!p0 $0x1082;
	s9 =	sld [smem:$0x3FB2]  }
0x2f: {  	lr =	sadd.s32 s0, s3;
	s0 =	sld [smem:$0x3FA9]  }
0x30: {  	s3 =	sld [smem:$0x3FAC]  }
0x31: {  	[smem:$0x3FB5] =	sst s10  }
0x32: {  	s10 =	sld [smem:$0x3FB3];
	_ =	sdelay $0x3  }
0x33: {  	p0 =	seq.s32 s10, $0x1;
	s10 =	sld [smem:$0x3FB5];
	_ =	sdelay $0x3  }
0x34: {  	[smem:$0x3FB5] =	sst s10  }
0x35: {  	s10 =	sld [smem:$0x3FB4];
	_ =	sdelay $0x3  }
0x36: {  	p1 =	seq.s32 s10, $0x1;
	s10 =	sld [smem:$0x3FB5];
	_ =	sdelay $0x3  }
0x37: {  	[smem:$0x3FB5] =	sst s10  }
0x38: {  	s10 =	sld [smem:$0x3FB6]  }
0x39: {  	_ = 	snop;
	(pc) =	sbr.ind lr, $3  }
0x3a: {  	_ = 	snop  }
0x3b: {  	_ = 	snop  }
0x3c: {  	p2 =	seq.s32 s10, $0x1;
	s10 =	sld [smem:$0x3FB5]  }
0x3d: {  	_ =	shalt  }
0x3e: {  	_ =	shalt  }
0x3f: {  	_ =	shalt  }
0x40: {  	_ =	shalt  }
0x41: {  	_ =	shalt  }
0x42: {  	_ =	shalt  }
0x43: {  	_ =	shalt  }
0x44: {  	_ =	shalt  }
0x45: {  	_ =	shalt  }
0x46: {  	_ =	shalt  }
0x47: {  	_ =	shalt  }
0x48: {  	_ =	shalt  }
0x49: {  	_ =	shalt  }
0x4a: {  	_ =	shalt  }
0x4b: {  	_ =	shalt  }
0x4c: {  	_ =	shalt  }
0x4d: {  	_ =	shalt  }
0x4e: {  	_ =	shalt  }
0x4f: {  	_ =	shalt  }
0x50: {  	_ =	shalt  }
0x51: {  	_ =	shalt  }
0x52: {  	_ =	shalt  }
0x53: {  	_ =	shalt  }
0x54: {  	_ =	shalt  }
0x55: {  	_ =	shalt  }
0x56: {  	_ =	shalt  }
0x57: {  	_ =	shalt  }
0x58: {  	_ =	shalt  }
0x59: {  	_ =	shalt  }
0x5a: {  	_ =	shalt  }
0x5b: {  	_ =	shalt  }
0x5c: {  	_ =	shalt  }
0x5d: {  	_ =	shalt  }
0x5e: {  	_ =	shalt  }
0x5f: {  	_ =	shalt  }
0x60: {  	_ =	shalt  }
0x61: {  	_ =	shalt  }
0x62: {  	_ =	shalt  }
0x63: {  	_ =	shalt  }
0x64: {  	_ =	shalt  }
0x65: {  	_ =	shalt  }
0x66: {  	_ =	shalt  }
0x67: {  	_ =	shalt  }
0x68: {  	_ =	shalt  }
0x69: {  	_ =	shalt  }
0x6a: {  	_ =	shalt  }
0x6b: {  	_ =	shalt  }
0x6c: {  	_ =	shalt  }
0x6d: {  	_ =	shalt  }
0x6e: {  	_ =	shalt  }
0x6f: {  	_ =	shalt  }
0x70: {  	_ =	shalt  }
0x71: {  	_ =	shalt  }
0x72: {  	_ =	shalt  }
0x73: {  	_ =	shalt  }
0x74: {  	_ =	shalt  }
0x75: {  	_ =	shalt  }
0x76: {  	_ =	shalt  }
0x77: {  	_ =	shalt  }
0x78: {  	_ =	shalt  }
0x79: {  	_ =	shalt  }
0x7a: {  	_ =	shalt  }
0x7b: {  	_ =	shalt  }
0x7c: {  	_ =	shalt  }
0x7d: {  	_ =	shalt  }
0x7e: {  	_ =	shalt  }
0x7f: {  	_ =	shalt  }
0x80: {  	_ =	shalt  }
0x81: {  	_ =	shalt  }
0x82: {  	_ =	shalt  }
0x83: {  	_ =	shalt  }
0x84: {  	_ =	shalt  }
0x85: {  	_ =	shalt  }
0x86: {  	_ =	shalt  }
0x87: {  	_ =	shalt  }
.Lfunc_end0:
.L_simem_size_0:
called_computation.1_lowered:
.L_overlay_start_0:
0x88: {  	s2 =	sld [smem:$0x3FD9]  }
0x89: {  	s3 =	sld [smem:$0x3FFE];
	_ =	sdelay $0x1  }
0x8a: {  	s1 =	srdreg.scid  }
0x8b: {  	s0 =	sand.u32 $0x1, s1  }
0x8c: {  	s17 =	sshll.u32 s0, $0xA;
	s2 =	sadd.s32 s3, s2  }
0x8d: {  	s2 =	sadd.s32 s2, s17  }
0x8e: {  	[smem:$0x3FC1] =	sst s2  }
0x8f: {  	_ = 	snop  }
0x90: {  	s2 =	sld [smem:$0x3FC9]  }
0x91: {  	s18 =	sld [smem:$0x3FC8]  }
0x92: {  	s4 =	sld [smem:$0x3FC5]  }
0x93: {  	s5 =	sld [smem:$0x3FC4]  }
0x94: {  	s6 =	sld [smem:$0x3FC3];
	(tm) =	ssettm $0x1  }
0x95: {  	s7 =	sld [smem:$0x3FFB];
	_ =	sdelay $0x3  }
0x96: {  	_ =	strace s7  }
0x97: {  	s7 =	sld [smem:$0x3FFC];
	_ =	sdelay $0x3  }
0x98: {  	_ =	strace s7  }
0x99: {  	s7 =	sld [smem:$0x3FFD];
	_ =	sdelay $0x3  }
0x9a: {  	_ =	strace s7  }
0x9b: {  	_ =	strace $0x8FFFFFFF  }
0x9c: {  	s19 =	sld [smem:$0x3FDB];
	_ =	sdelay $0x1  }
0x9d: {  	s8 =	simm.s32 $_scs_section_size  }
0x9e: {  	s9 =	simm.s32 $_size__tile_overlayer_lowered;
	s10 =	simm.s32 $_tile_overlayer_lowered  }
0x9f: {  	s22 =	simm.s32 $0x1BFF;
	s21 =	sshll.u32 s10, $0x1;
	s7 =	sadd.s32 s8, s19  }
0xa0: {  	s11 =	simm.s32 $0x0;
	s20 =	sshll.u32 s9, $0x1;
	s9 =	sadd.s32 s21, s7  }
0xa1: {  	[timem:s11], [sflag:s22] =	dma.local [hbm:s9], s20  }
0xa2: {  	_ =	swait.ge [sflag:s22], s20  }
0xa3: {  	s8 =	ssub.s32 $0x0, s20;
	[sflag:s22] =	ssyncset.done $0x0  }
0xa4: {  	[sflag:s22] =	ssyncadd.s32 s8;
	_ =	sdelay $0x1  }
0xa5: {  	s23 =	simm.s32 $0x1B8B  }
0xa6: {  	_ =	swait.ge [sflag:s23], $0x1  }
0xa7: {  	[sflag:s23] =	ssyncset.done $0x0  }
0xa8: {  	s25 =	simm.s32 $0x1B8E;
	s24 =	sld [smem:$0x3FFE];
	[sflag:s23] =	ssyncadd.s32 $0xFFFFFFFF  }
0xa9: {  	s26 =	simm.s32 $execute0_lowered;
	[smem:$0x3FD2] =	sst s25  }
0xaa: {  	s9 =	sshll.u32 s26, $0x1;
	_ =	strace $0x80000046;
	[dreg:$0x1] =	wrdreg $0xFFFFFFFF  }
0xab: {  	s28 =	simm.s32 $_size_execute0_lowered;
	s7 =	sadd.s32 s7, s9;
	[dreg:$0x0] =	wrdreg $0x0  }
0xac: {  	s9 =	sshll.u32 s28, $0x1;
	[dreg:$0x2] =	wrdreg s7  }
0xad: {  	[dreg:$0x3] =	wrdreg s9  }
0xae: {  	[dreg:$0x4] =	wrdreg $0xC0  }
0xaf: {  	_ =	task [dreg:s11], $0x5FFFF  }
0xb0: {  	[dreg:$0x1] =	wrdreg $0xFFFFFFFF  }
0xb1: {  	[dreg:$0x0] =	wrdreg $0x60  }
0xb2: {  	[dreg:$0x2] =	wrdreg s2  }
0xb3: {  	[dreg:$0x3] =	wrdreg s18  }
0xb4: {  	[dreg:$0x4] =	wrdreg s4  }
0xb5: {  	[dreg:$0x5] =	wrdreg s5  }
0xb6: {  	[dreg:$0x6] =	wrdreg s6  }
0xb7: {  	[dreg:$0x7] =	wrdreg s24  }
0xb8: {  	[dreg:$0x8] =	wrdreg $0xA  }
0xb9: {  	_ =	task.clear_ibuf [dreg:s11], $0x9FFFF;
	_ =	strace $0x90000046  }
0xba: {  	s29 =	simm.s32 $0xA;
	_ =	strace $0x80000048  }
0xbb: {  	_ =	swait.ge [sflag:s29], $0x1  }
0xbc: {  	[sflag:s29] =	ssyncadd.s32 $0xFFFFFFFF  }
0xbd: {  	_ =	strace $0x90000048  }
0xbe: {  	_ =	sfence  }
0xbf: {  	s30 =	sld [smem:$0x0];
	_ =	sdelay $0x2  }
0xc0: {  	s31 =	sshll.u32 s1, $0xD;
	s1 =	sshrl.u32 s1, $0x2  }
0xc1: {  	s3 =	sand.u32 $0x4000, s31;
	s1 =	sadd.s32 s1, s30  }
0xc2: {  	s0 =	sor.u32 s3, s0;
	s1 =	sshll.u32 s1, $0x11  }
0xc3: {  	s0 =	sor.u32 s1, s0  }
0xc4: {  	s0 =	sadd.s32 $0x8F2B, s0  }
0xc5: {  	[sflag:s0] =	ssyncadd.remote.s32 $0x1  }
0xc6: {  	_ =	sfence.sel $0xFFFF  }
0xc7: {  	[dreg:$0x0] =	wrdreg $0xFFFFFFFF;
	(pc) =	sbr.abs _section_cstart, $3  }
0xc8: {  	[dreg:$0x1] =	wrdreg $0xFFFFFFFF  }
0xc9: {  	_ =	task.clear_ibuf [dreg:s11], $0x2FFFF;
	_ =	strace $0x9FFFFFFF  }
0xca: {  	(tm) =	ssettm $0x7FFFFFFF  }
0xcb: {  	_ =	shalt  }
tec
execute0_lowered:
.L_overlay_start_1:
0x0: {  	(tag) =	ssettag $0x1  }
0x1: {  	s1 =	rddreg [dreg:$0x0]  }
0x2: {  	s2 =	rddreg [dreg:$0x1]  }
0x3: {  	s5 =	rddreg [dreg:$0x2]  }
0x4: {  	s3 =	srdreg.scid;
	s0 =	stileid.u32  }
0x5: {  	s7 =	rddreg [dreg:$0x3];
	s30 =	sand.u32 $0x1, s3;
	s26 =	sshll.u32 s0, $0x1  }
0x6: {  	s9 =	rddreg [dreg:$0x4];
	s16 =	sor.u32 s30, s26  }
0x7: {  	s28 =	rddreg [dreg:$0x5];
	s4 =	simm.s32 $0x0;
	s6 =	sshll.u32 s16, $0x5  }
0x8: {  	[smem:$0x7FF] =	sst s4;
	s10 =	sor.u32 $0x400, s6  }
0x9: {  	_ =	strace $0x80000047;
	s6 =	simm.s32 $0x7;
	s5 =	sadd.s32 s5, s10  }
0xa: {  	[tilespmem:s4], [sflag:$0x7] =	stream.linear.gather [hbm4b:s5+s4], $0x100, $0x38;
	[tilespmem:$0xC300] =	vst v63  }
0xb: {  	_ =	swait.ge [sflag:s6], $0x100  }
0xc: {  	[sflag:s6] =	ssyncset.done $0x0  }
0xd: {  	s8 =	simm.s32 $0x100;
	s7 =	sadd.s32 s7, s10;
	[sflag:s6] =	ssyncadd.s32 $0xFFFFFF00  }
0xe: {  	[tilespmem:s8], [sflag:$0x7] =	stream.linear.gather [hbm4b:s7+s4], $0x100, $0x38;
	[tilespmem:$0xC300] =	vst v63  }
0xf: {  	_ =	swait.ge [sflag:s6], $0x100  }
0x10: {  	[sflag:s6] =	ssyncset.done $0x0  }
0x11: {  	s9 =	sadd.s32 s9, s10;
	s10 =	simm.s32 $0x200;
	[sflag:s6] =	ssyncadd.s32 $0xFFFFFF00  }
0x12: {  	[tilespmem:s10], [sflag:$0x7] =	stream.linear.gather [hbm4b:s9+s4], $0x100, $0x38;
	[tilespmem:$0xC300] =	vst v63  }
0x13: {  	_ =	swait.ge [sflag:s6], $0x100  }
0x14: {  	[sflag:s6] =	ssyncset.done $0x0  }
0x15: {  	s11 =	simm.s32 $0x80;
	s12 =	simm.s32 $0x300;
	[sflag:s6] =	ssyncadd.s32 $0xFFFFFF00  }
0x16: {  	[tilespmem:s12], [sflag:$0x1] =	stream.indirect.gather [hbm4b:s1+s11], $0x80, s4, s11, $0xb8;
	[tilespmem:$0xC300] =	vst v63  }
0x17: {  	s13 =	simm.s32 $0x4300  }
0x18: {  	[tilespmem:s13], [sflag:$0x2] =	stream.indirect.gather [hbm4b:s1+s11], $0x80, s11, s11, $0xb8;
	[tilespmem:$0xC300] =	vst v63  }
0x19: {  	s14 =	simm.s32 $0x8300;
	s15 =	simm.s32 $0x1  }
0x1a: {  	[tilespmem:s14], [sflag:$0x3] =	stream.indirect.gather [hbm4b:s2+s11], $0x80, s8, s11, $0xb8;
	[tilespmem:$0xC300] =	vst v63  }
0x1b: {  	_ =	swait.ge [sflag:s15], $0x4000  }
0x1c: {  	s20 =	sadd.s32 $0x1E00, s28;
	s29 =	sshll.u32 s16, $0xC;
	[sflag:s15] =	ssyncset.done $0x0  }
0x1d: {  	s17 =	simm.s32 $0x4;
	s16 =	sadd.s32 s20, s29;
	[sflag:s15] =	ssyncadd.s32 $0xFFFFC000  }
0x1e: {  	[hbm4b:s16+s4] =	stream.linear.scatter [tilespmem:s12], [sflag:$0x4], $0x4000, $0x38;
	[tilespmem:$0xC300] =	vst v63  }
0x1f: {  	_ =	swait.ge [sflag:s17], $0x4000  }
0x20: {  	[sflag:s17] =	ssyncset.done $0x0  }
0x21: {  	s18 =	simm.s32 $0x180;
	s19 =	simm.s32 $0x2;
	[sflag:s17] =	ssyncadd.s32 $0xFFFFC000  }
0x22: {  	[tilespmem:s12], [sflag:$0x1] =	stream.indirect.gather [hbm4b:s2+s11], $0x80, s18, s11, $0xb8;
	[tilespmem:$0xC300] =	vst v63  }
0x23: {  	_ =	swait.ge [sflag:s19], $0x4000  }
0x24: {  	s31 =	sor.u32 $0x800, s29;
	[sflag:s19] =	ssyncset.done $0x0  }
0x25: {  	s21 =	simm.s32 $0x5;
	s20 =	sadd.s32 s20, s31;
	[sflag:s19] =	ssyncadd.s32 $0xFFFFC000  }
0x26: {  	[hbm4b:s20+s4] =	stream.linear.scatter [tilespmem:s13], [sflag:$0x5], $0x4000, $0x38;
	[tilespmem:$0xC300] =	vst v63  }
0x27: {  	_ =	swait.ge [sflag:s21], $0x4000  }
0x28: {  	[sflag:s21] =	ssyncset.done $0x0  }
0x29: {  	s22 =	simm.s32 $0x3;
	[sflag:s21] =	ssyncadd.s32 $0xFFFFC000  }
0x2a: {  	[tilespmem:s13], [sflag:$0x2] =	stream.indirect.gather [hbm4b:s2+s11], $0x80, s10, s11, $0xb8;
	[tilespmem:$0xC300] =	vst v63  }
0x2b: {  	_ =	swait.ge [sflag:s22], $0x4000  }
0x2c: {  	s26 =	sadd.s32 $0x21E00, s28;
	[sflag:s22] =	ssyncset.done $0x0  }
0x2d: {  	s24 =	simm.s32 $0x6;
	s23 =	sadd.s32 s26, s29;
	[sflag:s22] =	ssyncadd.s32 $0xFFFFC000  }
0x2e: {  	[hbm4b:s23+s4] =	stream.linear.scatter [tilespmem:s14], [sflag:$0x6], $0x4000, $0x38;
	[tilespmem:$0xC300] =	vst v63  }
0x2f: {  	_ =	swait.ge [sflag:s24], $0x4000  }
0x30: {  	[sflag:s24] =	ssyncset.done $0x0  }
0x31: {  	s25 =	simm.s32 $0x280;
	[sflag:s24] =	ssyncadd.s32 $0xFFFFC000  }
0x32: {  	[tilespmem:s14], [sflag:$0x3] =	stream.indirect.gather [hbm4b:s2+s11], $0x80, s25, s11, $0xb8;
	[tilespmem:$0xC300] =	vst v63  }
0x33: {  	_ =	swait.ge [sflag:s15], $0x4000  }
0x34: {  	[sflag:s15] =	ssyncset.done $0x0  }
0x35: {  	s26 =	sadd.s32 s26, s31;
	[sflag:s15] =	ssyncadd.s32 $0xFFFFC000  }
0x36: {  	[hbm4b:s26+s4] =	stream.linear.scatter [tilespmem:s12], [sflag:$0x4], $0x4000, $0x38;
	[tilespmem:$0xC300] =	vst v63  }
0x37: {  	_ =	swait.ge [sflag:s19], $0x4000  }
0x38: {  	s3 =	sadd.s32 $0x41E00, s28;
	[sflag:s19] =	ssyncset.done $0x0  }
0x39: {  	s28 =	sadd.s32 s3, s29;
	[sflag:s19] =	ssyncadd.s32 $0xFFFFC000  }
0x3a: {  	[hbm4b:s28+s4] =	stream.linear.scatter [tilespmem:s13], [sflag:$0x5], $0x4000, $0x38;
	[tilespmem:$0xC300] =	vst v63  }
0x3b: {  	_ =	swait.ge [sflag:s22], $0x4000  }
0x3c: {  	s29 =	sadd.s32 s3, s31;
	s31 =	ssub.s32 $0x2, s30;
	[sflag:s22] =	ssyncset.done $0x0  }
0x3d: {  	s30 =	sshrl.u32 s31, $0x1;
	[sflag:s22] =	ssyncadd.s32 $0xFFFFC000  }
0x3e: {  	[hbm4b:s29+s4] =	stream.linear.scatter [tilespmem:s14], [sflag:$0x6], $0x4000, $0x38;
	[tilespmem:$0xC300] =	vst v63  }
0x3f: {  	s3 =	ssub.s32 s31, s30;
	_ =	swait.ge [sflag:s17], $0x4000  }
0x40: {  	s3 =	smax.u32 s3, $0x1;
	[sflag:s17] =	ssyncset.done $0x0  }
0x41: {  	p0 =	sne.s32 s3, $0x1;
	[sflag:s17] =	ssyncadd.s32 $0xFFFFC000  }
.Ltmp0:
0x42: {  	_ =	swait.ge [sflag:s21], $0x4000;
	(pc) =	sbr.rel @!p0 .LBB2_2-.Ltmp0, $4  }
0x43: {  	[sflag:s21] =	ssyncset.done $0x0  }
0x44: {  	[sflag:s21] =	ssyncadd.s32 $0xFFFFC000  }
0x45: {  	_ =	swait.ge [sflag:s24], $0x4000  }
0x46: {  	s30 =	sadd.s32 $0xFFFFFFFF, s3;
	[sflag:s24] =	ssyncset.done $0x0  }
.LBB2_1:
0x47: {  	p0 =	sne.s32 s30, $0x1;
	s30 =	sadd.s32 $0xFFFFFFFF, s30;
	[sflag:s24] =	ssyncadd.s32 $0xFFFFC000  }
0x48: {  	[tilespmem:s4], [sflag:$0x7] =	stream.linear.gather [hbm4b:s5+s4], $0x100, $0x38;
	[tilespmem:$0xC300] =	vst v63  }
0x49: {  	_ =	swait.ge [sflag:s6], $0x100  }
0x4a: {  	[sflag:s6] =	ssyncset.done $0x0  }
0x4b: {  	[sflag:s6] =	ssyncadd.s32 $0xFFFFFF00  }
0x4c: {  	[tilespmem:s8], [sflag:$0x7] =	stream.linear.gather [hbm4b:s7+s4], $0x100, $0x38;
	[tilespmem:$0xC300] =	vst v63  }
0x4d: {  	_ =	swait.ge [sflag:s6], $0x100  }
0x4e: {  	[sflag:s6] =	ssyncset.done $0x0  }
0x4f: {  	[sflag:s6] =	ssyncadd.s32 $0xFFFFFF00  }
0x50: {  	[tilespmem:s10], [sflag:$0x7] =	stream.linear.gather [hbm4b:s9+s4], $0x100, $0x38;
	[tilespmem:$0xC300] =	vst v63  }
0x51: {  	_ =	swait.ge [sflag:s6], $0x100  }
0x52: {  	[sflag:s6] =	ssyncset.done $0x0  }
0x53: {  	[sflag:s6] =	ssyncadd.s32 $0xFFFFFF00  }
0x54: {  	[tilespmem:s12], [sflag:$0x1] =	stream.indirect.gather [hbm4b:s1+s11], $0x80, s4, s11, $0xb8;
	[tilespmem:$0xC300] =	vst v63  }
0x55: {  	_ = 	snop  }
0x56: {  	[tilespmem:s13], [sflag:$0x2] =	stream.indirect.gather [hbm4b:s1+s11], $0x80, s11, s11, $0xb8;
	[tilespmem:$0xC300] =	vst v63  }
0x57: {  	_ = 	snop  }
0x58: {  	[tilespmem:s14], [sflag:$0x3] =	stream.indirect.gather [hbm4b:s2+s11], $0x80, s8, s11, $0xb8;
	[tilespmem:$0xC300] =	vst v63  }
0x59: {  	_ =	swait.ge [sflag:s15], $0x4000  }
0x5a: {  	[sflag:s15] =	ssyncset.done $0x0  }
0x5b: {  	[sflag:s15] =	ssyncadd.s32 $0xFFFFC000  }
0x5c: {  	[hbm4b:s16+s4] =	stream.linear.scatter [tilespmem:s12], [sflag:$0x4], $0x4000, $0x38;
	[tilespmem:$0xC300] =	vst v63  }
0x5d: {  	_ =	swait.ge [sflag:s17], $0x4000  }
0x5e: {  	[sflag:s17] =	ssyncset.done $0x0  }
0x5f: {  	[sflag:s17] =	ssyncadd.s32 $0xFFFFC000  }
0x60: {  	[tilespmem:s12], [sflag:$0x1] =	stream.indirect.gather [hbm4b:s2+s11], $0x80, s18, s11, $0xb8;
	[tilespmem:$0xC300] =	vst v63  }
0x61: {  	_ =	swait.ge [sflag:s19], $0x4000  }
0x62: {  	[sflag:s19] =	ssyncset.done $0x0  }
0x63: {  	[sflag:s19] =	ssyncadd.s32 $0xFFFFC000  }
0x64: {  	[hbm4b:s20+s4] =	stream.linear.scatter [tilespmem:s13], [sflag:$0x5], $0x4000, $0x38;
	[tilespmem:$0xC300] =	vst v63  }
0x65: {  	_ =	swait.ge [sflag:s21], $0x4000  }
0x66: {  	[sflag:s21] =	ssyncset.done $0x0  }
0x67: {  	[sflag:s21] =	ssyncadd.s32 $0xFFFFC000  }
0x68: {  	[tilespmem:s13], [sflag:$0x2] =	stream.indirect.gather [hbm4b:s2+s11], $0x80, s10, s11, $0xb8;
	[tilespmem:$0xC300] =	vst v63  }
0x69: {  	_ =	swait.ge [sflag:s22], $0x4000  }
0x6a: {  	[sflag:s22] =	ssyncset.done $0x0  }
0x6b: {  	[sflag:s22] =	ssyncadd.s32 $0xFFFFC000  }
0x6c: {  	[hbm4b:s23+s4] =	stream.linear.scatter [tilespmem:s14], [sflag:$0x6], $0x4000, $0x38;
	[tilespmem:$0xC300] =	vst v63  }
0x6d: {  	_ =	swait.ge [sflag:s24], $0x4000  }
0x6e: {  	[sflag:s24] =	ssyncset.done $0x0  }
0x6f: {  	[sflag:s24] =	ssyncadd.s32 $0xFFFFC000  }
0x70: {  	[tilespmem:s14], [sflag:$0x3] =	stream.indirect.gather [hbm4b:s2+s11], $0x80, s25, s11, $0xb8;
	[tilespmem:$0xC300] =	vst v63  }
0x71: {  	_ =	swait.ge [sflag:s15], $0x4000  }
0x72: {  	[sflag:s15] =	ssyncset.done $0x0  }
0x73: {  	[sflag:s15] =	ssyncadd.s32 $0xFFFFC000  }
0x74: {  	[hbm4b:s26+s4] =	stream.linear.scatter [tilespmem:s12], [sflag:$0x4], $0x4000, $0x38;
	[tilespmem:$0xC300] =	vst v63  }
0x75: {  	_ =	swait.ge [sflag:s19], $0x4000  }
0x76: {  	[sflag:s19] =	ssyncset.done $0x0  }
0x77: {  	[sflag:s19] =	ssyncadd.s32 $0xFFFFC000  }
0x78: {  	[hbm4b:s28+s4] =	stream.linear.scatter [tilespmem:s13], [sflag:$0x5], $0x4000, $0x38;
	[tilespmem:$0xC300] =	vst v63  }
0x79: {  	_ =	swait.ge [sflag:s22], $0x4000  }
0x7a: {  	[sflag:s22] =	ssyncset.done $0x0  }
0x7b: {  	[sflag:s22] =	ssyncadd.s32 $0xFFFFC000  }
0x7c: {  	[hbm4b:s29+s4] =	stream.linear.scatter [tilespmem:s14], [sflag:$0x6], $0x4000, $0x38;
	[tilespmem:$0xC300] =	vst v63  }
0x7d: {  	_ =	swait.ge [sflag:s17], $0x4000  }
0x7e: {  	[sflag:s17] =	ssyncset.done $0x0  }
0x7f: {  	[sflag:s17] =	ssyncadd.s32 $0xFFFFC000  }
.Ltmp1:
0x80: {  	_ =	swait.ge [sflag:s21], $0x4000;
	(pc) =	sbr.rel @p0 .LBB2_1-.Ltmp1, $4  }
0x81: {  	[sflag:s21] =	ssyncset.done $0x0  }
0x82: {  	[sflag:s21] =	ssyncadd.s32 $0xFFFFC000  }
0x83: {  	_ =	swait.ge [sflag:s24], $0x4000  }
0x84: {  	[sflag:s24] =	ssyncset.done $0x0  }
.LBB2_2:
0x85: {  	[sflag:s24] =	ssyncadd.s32 $0xFFFFC000  }
0x86: {  	_ =	sfence.sel $0x180000  }
0x87: {  	[bflag:$0x0] =	sbarrier.arrive $0xFFFF  }
0x88: {  	_ =	strace $0x90000047  }
0x89: {  	[bflag:$0x2] =	sbarrier.arrive $0xFFFF  }
0x8a: {  	p0 =	sne.s32 s0, $0x0;
	s0 =	rddreg [dreg:$0x6]  }
0x8b: {  	s0 =	sadd.s32 @!p0 $0x100000, s0  }
0x8c: {  	[sflag:s0] =	ssyncadd.tile.s32 @!p0 $0x1;
	_ =	shalt  }
.Lfunc_end2:
_tile_overlayer_lowered:
.L_overlay_start_2:
0x8d: {  	(tag) =	ssettag $0x2  }
0x8e: {  	s0 =	rddreg [dreg:$0x0];
	s2 =	stileid.u32  }
0x8f: {  	s1 =	rddreg [dreg:$0x1];
	p0 =	sne.s32 s2, $0x0  }
0x90: {  	s3 =	rddreg [dreg:$0x2];
	[bflag:$0x3] =	sbarrier.arrive $0xFFFF;
	s2 =	simm.s32 @!p0 $0x1C07  }
0x91: {  	[timem:s3], [sflag:s2] =	dma.local @!p0 [hbm:s0], s1  }
0x92: {  	s0 =	simm.s32 @!p0 $0x7  }
0x93: {  	_ =	swait.ge @!p0 [sflag:s0], s1  }
0x94: {  	s1 =	ssub.s32 @!p0 $0x0, s1;
	[sflag:s0] =	ssyncset.done @!p0 $0x0  }
0x95: {  	[sflag:s0] =	ssyncadd.s32 @!p0 s1  }
0x96: {  	[bflag:$0x3] =	sbarrier.arrive $0xFFFF  }
0x97: {  	_ =	shalt  }

</sc_bundles>
